<compile_context>
chip_gen: v7x
topology: tpu7x:2x2x1
jax: 0.10.2.dev20260603
libtpu: 0.0.44.dev20260713+nightly
codegen_flags: <defaults>
</compile_context>

<pallas_src>
import functools

import jax
import jax.numpy as jnp
from jax import lax
from jax.experimental import pallas as pl
from jax.experimental.pallas import tpu as pltpu
from jax.experimental.pallas import tpu_sc as plsc

N = 10000
E = 320000
D = 128
NC = 2
NS = 16
NW = NC * NS
EPT = E // NW
KD = 250
NCHUNKD = EPT // KD
K = 250
NCHUNK = EPT // K
NH = NCHUNK // 2
NPT = N // NS

_mesh = plsc.VectorSubcoreMesh(core_axis_name="c", subcore_axis_name="s")
_CP = pltpu.CompilerParams(use_tc_tiling_on_sc=False)


@functools.partial(
    pl.kernel,
    out_type=jax.ShapeDtypeStruct((NC, NS, NPT, 16), jnp.float32),
    mesh=_mesh,
    compiler_params=_CP,
    scratch_types=[
        pltpu.VMEM((NCHUNKD, KD), jnp.int32),
        pltpu.VMEM((KD, 16), jnp.float32),
        pltpu.VMEM((NPT, 16), jnp.float32),
        pltpu.VMEM_SHARED((N, 16), jnp.float32),
    ],
)
def _sc_degree(dst_hbm, ones_hbm, deg_out, dst_v, ones_v, zbuf, degbuf):
    c = lax.axis_index("c")
    s = lax.axis_index("s")

    def _zero(i, _):
        zbuf[i] = jnp.zeros((16,), jnp.float32)
        return 0

    lax.fori_loop(0, NPT, _zero, 0)
    pltpu.sync_copy(zbuf, degbuf.at[pl.ds(s * NPT, NPT)])
    pltpu.sync_copy(dst_hbm.at[c, s], dst_v)
    pltpu.sync_copy(ones_hbm, ones_v)
    plsc.subcore_barrier()

    def _accum(j, _):
        pltpu.sync_copy(ones_v, degbuf.at[dst_v.at[j]], add=True)
        return 0

    lax.fori_loop(0, NCHUNKD, _accum, 0)
    plsc.subcore_barrier()
    pltpu.sync_copy(degbuf.at[pl.ds(s * NPT, NPT)], deg_out.at[c, s])


def _tc_matmul_body(x_ref, w_ref, xw_ref):
    xw_ref[...] = jnp.dot(x_ref[...], w_ref[...],
                          preferred_element_type=jnp.float32)


def _tc_matmul(x, W):
    R = 5000
    return pl.pallas_call(
        _tc_matmul_body,
        grid=(N // R,),
        in_specs=[
            pl.BlockSpec((R, D), lambda i: (i, 0)),
            pl.BlockSpec((D, D), lambda i: (0, 0)),
        ],
        out_specs=pl.BlockSpec((R, D), lambda i: (i, 0)),
        out_shape=jax.ShapeDtypeStruct((N, D), jnp.float32),
    )(x, W)


def _tc_scale_body(deg_ref, xw_ref, y_ref, dinv_ref):
    deg = deg_ref[0, :, 0] + deg_ref[1, :, 0] + 1.0
    dinv = lax.rsqrt(deg)
    y_ref[...] = xw_ref[...] * dinv[:, None]
    dinv_ref[...] = dinv[:, None]


def _tc_scale(deg, xw):
    R = 5000
    grid = N // R
    return pl.pallas_call(
        _tc_scale_body,
        grid=(grid,),
        in_specs=[
            pl.BlockSpec((NC, R, 16), lambda i: (0, i, 0)),
            pl.BlockSpec((R, D), lambda i: (i, 0)),
        ],
        out_specs=[
            pl.BlockSpec((R, D), lambda i: (i, 0)),
            pl.BlockSpec((R, 1), lambda i: (i, 0)),
        ],
        out_shape=[
            jax.ShapeDtypeStruct((N, D), jnp.float32),
            jax.ShapeDtypeStruct((N, 1), jnp.float32),
        ],
    )(deg, xw)


@functools.partial(
    pl.kernel,
    out_type=jax.ShapeDtypeStruct((NC, NS, NPT, D), jnp.float32),
    mesh=_mesh,
    compiler_params=_CP,
    scratch_types=[
        pltpu.VMEM((NCHUNK, K), jnp.int32),
        pltpu.VMEM((NH, K), jnp.int32),
        pltpu.VMEM((K, D), jnp.float32),
        pltpu.VMEM_SHARED((N, D), jnp.float32),
        pltpu.SemaphoreType.DMA,
    ],
)
def _sc_edges(src_hbm, dst_hbm, y_hbm, agg_out,
              src_v, dst_v, rows_v, aggbuf, sem):
    c = lax.axis_index("c")
    s = lax.axis_index("s")

    def _zero(i, _):
        for t in range(D // 16):
            rows_v[i, pl.ds(t * 16, 16)] = jnp.zeros((16,), jnp.float32)
        return 0

    lax.fori_loop(0, K, _zero, 0)
    nfull = NPT // K
    rem = NPT % K
    for t in range(nfull):
        pltpu.sync_copy(rows_v, aggbuf.at[pl.ds(s * NPT + t * K, K)])
    if rem:
        pltpu.sync_copy(rows_v.at[pl.ds(0, rem)],
                        aggbuf.at[pl.ds(s * NPT + nfull * K, rem)])
    pltpu.sync_copy(src_hbm.at[c, s], src_v)
    pltpu.sync_copy(dst_hbm.at[c, s, pl.ds(0, NH)], dst_v)
    plsc.subcore_barrier()

    for h in range(2):
        if h == 1:
            pltpu.sync_copy(dst_hbm.at[c, s, pl.ds(NH, NH)], dst_v)

        def _accum(j, _):
            pltpu.async_copy(y_hbm.at[src_v.at[h * NH + j]], rows_v,
                             sem).wait()
            pltpu.sync_copy(rows_v, aggbuf.at[dst_v.at[j]], add=True)
            return 0

        lax.fori_loop(0, NH, _accum, 0)
    plsc.subcore_barrier()
    pltpu.sync_copy(aggbuf.at[pl.ds(s * NPT, NPT)], agg_out.at[c, s])


def _tc_final_body(agg_ref, y_ref, dinv_ref, b_ref, o_ref):
    total = agg_ref[0] + agg_ref[1] + y_ref[...]
    o_ref[...] = jnp.maximum(total * dinv_ref[...] + b_ref[...], 0.0)


def _tc_final(agg, y, dinv, b):
    R = 5000
    grid = N // R
    return pl.pallas_call(
        _tc_final_body,
        grid=(grid,),
        in_specs=[
            pl.BlockSpec((NC, R, D), lambda i: (0, i, 0)),
            pl.BlockSpec((R, D), lambda i: (i, 0)),
            pl.BlockSpec((R, 1), lambda i: (i, 0)),
            pl.BlockSpec((1, D), lambda i: (0, 0)),
        ],
        out_specs=pl.BlockSpec((R, D), lambda i: (i, 0)),
        out_shape=jax.ShapeDtypeStruct((N, D), jnp.float32),
    )(agg, y, dinv, b)


@jax.jit
def kernel(x, edge_index, W, b):
    src = edge_index[0].reshape(NC, NS, NCHUNK, K)
    dst = edge_index[1].reshape(NC, NS, NCHUNK, K)
    dstd = edge_index[1].reshape(NC, NS, NCHUNKD, KD)
    ones_rows = jnp.ones((KD, 16), jnp.float32)
    xw = _tc_matmul(x, W)
    deg = _sc_degree(dstd, ones_rows).reshape(NC, N, 16)
    y, dinv = _tc_scale(deg, xw)
    agg = _sc_edges(src, dst, y).reshape(NC, N, D)
    return _tc_final(agg, y, dinv, b.reshape(1, D))

# --- scband reference (transcript-rebuilt; emitter-appended) ---
"""Pipeline reference for scband-gcnblock-44263932953221 (READ-ONLY COPY).

The authoritative reference and input builder live on the scoring server;
editing this copy changes nothing except your own understanding.
"""

import jax, jax.numpy as jnp
import numpy as np

N_NODES = 10000
N_EDGES = 320000
D_IN = 128
D_OUT = 128


def setup_inputs(seed: int = 0) -> dict:
    key = jax.random.key(seed)
    k1, k2, k3 = jax.random.split(key, 3)
    x = jax.random.normal(k1, (N_NODES, D_IN), dtype=jnp.float32)
    edge_index = jax.random.randint(k2, (2, N_EDGES), 0, N_NODES, dtype=jnp.int32)
    # GCNConv parameters: linear weight [D_IN, D_OUT] and bias [D_OUT]
    W = jax.random.normal(k3, (D_IN, D_OUT), dtype=jnp.float32) * (1.0 / np.sqrt(D_IN))
    b = jnp.zeros((D_OUT,), dtype=jnp.float32)
    return {"x": x, "edge_index": edge_index, "W": W, "b": b}


def reference(x, edge_index, W, b):
    # GCNConv (PyG semantics, default add_self_loops=True, symmetric normalization):
    # out = D^{-1/2} (A + I) D^{-1/2} (X W) + b, followed by ReLU.
    # Dropout is identity in eval mode and omitted for determinism.
    N = x.shape[0]
    self_loop = jnp.arange(N, dtype=edge_index.dtype)
    src = jnp.concatenate([edge_index[0], self_loop])
    dst = jnp.concatenate([edge_index[1], self_loop])
    # degree computed over destination nodes (edge weight = 1)
    deg = jnp.zeros((N,), dtype=x.dtype).at[dst].add(1.0)
    dinv = jnp.where(deg > 0, jax.lax.rsqrt(deg), 0.0)
    norm = dinv[src] * dinv[dst]
    xw = x @ W
    msgs = jnp.take(xw, src, axis=0) * norm[:, None]
    agg = jnp.zeros((N, W.shape[1]), dtype=x.dtype).at[dst].add(msgs)
    out = agg + b
    return jax.nn.relu(out)

if __name__ == "__main__":
    import jax
    _d = setup_inputs()
    print(jax.jit(kernel)(*tuple(_d.values())))

</pallas_src>

<mosaic_0001>
#map = affine_map<(d0, d1) -> (0, 0, 0, 0)>
#map1 = affine_map<(d0, d1) -> (0, 0)>
module attributes {stable_mosaic.version = 14 : i64} {
  func.func @_sc_degree(%arg0: i32, %arg1: i32, %arg2: memref<2x16x40x250xi32, #tpu.memory_space<hbm>>, %arg3: memref<250x16xf32, #tpu.memory_space<hbm>>, %arg4: memref<2x16x625x16xf32, #tpu.memory_space<hbm>>, %arg5: memref<40x250xi32, #tpu.memory_space<vmem>>, %arg6: memref<250x16xf32, #tpu.memory_space<vmem>>, %arg7: memref<625x16xf32, #tpu.memory_space<vmem>>, %arg8: memref<10000x16xf32, #tpu.memory_space<vmem_shared>>) attributes {dimension_semantics = [#tpu.dimension_semantics<core_parallel>, #tpu.dimension_semantics<subcore_parallel>], iteration_bounds = array<i64: 2, 16>, scalar_prefetch = 0 : i64, scratch_operands = 4 : i64, tpu.core_type = #tpu.core_type<sc_vector_subcore>, window_params = [{transform_indices = #map}, {transform_indices = #map1}, {transform_indices = #map}]} {
    %scan3A = arith.constant 0 : i32
    %scan3A_0 = arith.constant 0 : i32
    %scan3A_1 = arith.constant 625 : i32
    %scan3A_2 = arith.addi %scan3A_0, %scan3A_1 : i32
    %scan3A_3 = arith.constant 1 : i32
    %scan3A_4 = scf.for %scan3A_17 = %scan3A_0 to %scan3A_2 step %scan3A_3 iter_args(%scan3A_18 = %scan3A) -> (i32)  : i32 {
      %broadcast_in_dim3A = arith.constant 0.000000e+00 : f32
      %broadcast_in_dim3A_19 = vector.broadcast %broadcast_in_dim3A : f32 to vector<16xf32>
      %swap3A = arith.index_cast %scan3A_17 : i32 to index
      %swap3A_20 = arith.constant 0 : index
      %swap3A_21 = tpu.vector_load %arg7[%swap3A, %swap3A_20] {strides = array<i32>} : memref<625x16xf32, #tpu.memory_space<vmem>>, vector<1x16xf32>,
      %swap3A_22 = vector.shape_cast %swap3A_21 : vector<1x16xf32> to vector<16xf32>
      %swap3A_23 = vector.shape_cast %broadcast_in_dim3A_19 : vector<16xf32> to vector<1x16xf32>
      tpu.vector_store %arg7[%swap3A, %swap3A_20], %swap3A_23 {strides = array<i32>} : memref<625x16xf32, #tpu.memory_space<vmem>>, vector<1x16xf32>,
      %scan3A_24 = arith.constant 0 : i32
      scf.yield %scan3A_24 : i32
    }
    %scan3A_5 = arith.constant 625 : i32
    %mul3A = arith.constant 625 : i32
    %mul3A_6 = arith.muli %arg1, %mul3A : i32
    "tpu.region"() ({
      %run_scoped3A = tpu.sem_alloc : memref<!tpu.dma_semaphore, #tpu.memory_space<semaphore_mem>>
      %dma_start3A = arith.constant 0 : i32
      %dma_start3A_17 = tpu.memref_slice %arg8[%mul3A_6, %dma_start3A] : memref<10000x16xf32, #tpu.memory_space<vmem_shared>> -> memref<625x16xf32, #tpu.memory_space<vmem_shared>>
      %dma_start3A_18 = arith.constant 0 : i32
      %dma_start3A_19 = tpu.memref_slice %arg8[%mul3A_6, %dma_start3A_18] : memref<10000x16xf32, #tpu.memory_space<vmem_shared>> -> memref<625x16xf32, #tpu.memory_space<vmem_shared>>
      tpu.enqueue_dma source(%arg7 : memref<625x16xf32, #tpu.memory_space<vmem>>) target(%dma_start3A_19 : memref<625x16xf32, #tpu.memory_space<vmem_shared>>) target_semaphore(%run_scoped3A : memref<!tpu.dma_semaphore, #tpu.memory_space<semaphore_mem>>)
      %dma_wait3A = arith.constant 0 : i32
      %dma_wait3A_20 = tpu.memref_slice %arg8[%mul3A_6, %dma_wait3A] : memref<10000x16xf32, #tpu.memory_space<vmem_shared>> -> memref<625x16xf32, #tpu.memory_space<vmem_shared>>
      %dma_wait3A_21 = arith.constant 0 : i32
      %dma_wait3A_22 = tpu.memref_slice %arg8[%mul3A_6, %dma_wait3A_21] : memref<10000x16xf32, #tpu.memory_space<vmem_shared>> -> memref<625x16xf32, #tpu.memory_space<vmem_shared>>
      tpu.wait_dma2 semaphore(%run_scoped3A : memref<!tpu.dma_semaphore, #tpu.memory_space<semaphore_mem>>) src(%arg7 : memref<625x16xf32, #tpu.memory_space<vmem>>) dst(%dma_wait3A_22 : memref<625x16xf32, #tpu.memory_space<vmem_shared>>)
      tpu.yield
    }) : () -> ()
    "tpu.region"() ({
      %run_scoped3A = tpu.sem_alloc : memref<!tpu.dma_semaphore, #tpu.memory_space<semaphore_mem>>
      %dma_start3A = arith.constant 0 : i32
      %dma_start3A_17 = arith.constant 0 : i32
      %dma_start3A_18 = tpu.memref_slice %arg2[%arg0, %arg1, %dma_start3A, %dma_start3A_17] : memref<2x16x40x250xi32, #tpu.memory_space<hbm>> -> memref<1x1x40x250xi32, #tpu.memory_space<hbm>>
      %dma_start3A_19 = tpu.memref_squeeze %dma_start3A_18 : memref<1x1x40x250xi32, #tpu.memory_space<hbm>> -> memref<40x250xi32, #tpu.memory_space<hbm>>
      %dma_start3A_20 = arith.constant 0 : i32
      %dma_start3A_21 = arith.constant 0 : i32
      %dma_start3A_22 = tpu.memref_slice %arg2[%arg0, %arg1, %dma_start3A_20, %dma_start3A_21] : memref<2x16x40x250xi32, #tpu.memory_space<hbm>> -> memref<1x1x40x250xi32, #tpu.memory_space<hbm>>
      %dma_start3A_23 = tpu.memref_squeeze %dma_start3A_22 : memref<1x1x40x250xi32, #tpu.memory_space<hbm>> -> memref<40x250xi32, #tpu.memory_space<hbm>>
      tpu.enqueue_dma source(%dma_start3A_23 : memref<40x250xi32, #tpu.memory_space<hbm>>) target(%arg5 : memref<40x250xi32, #tpu.memory_space<vmem>>) target_semaphore(%run_scoped3A : memref<!tpu.dma_semaphore, #tpu.memory_space<semaphore_mem>>)
      %dma_wait3A = arith.constant 0 : i32
      %dma_wait3A_24 = arith.constant 0 : i32
      %dma_wait3A_25 = tpu.memref_slice %arg2[%arg0, %arg1, %dma_wait3A, %dma_wait3A_24] : memref<2x16x40x250xi32, #tpu.memory_space<hbm>> -> memref<1x1x40x250xi32, #tpu.memory_space<hbm>>
      %dma_wait3A_26 = tpu.memref_squeeze %dma_wait3A_25 : memref<1x1x40x250xi32, #tpu.memory_space<hbm>> -> memref<40x250xi32, #tpu.memory_space<hbm>>
      %dma_wait3A_27 = arith.constant 0 : i32
      %dma_wait3A_28 = arith.constant 0 : i32
      %dma_wait3A_29 = tpu.memref_slice %arg2[%arg0, %arg1, %dma_wait3A_27, %dma_wait3A_28] : memref<2x16x40x250xi32, #tpu.memory_space<hbm>> -> memref<1x1x40x250xi32, #tpu.memory_space<hbm>>
      %dma_wait3A_30 = tpu.memref_squeeze %dma_wait3A_29 : memref<1x1x40x250xi32, #tpu.memory_space<hbm>> -> memref<40x250xi32, #tpu.memory_space<hbm>>
      tpu.wait_dma2 semaphore(%run_scoped3A : memref<!tpu.dma_semaphore, #tpu.memory_space<semaphore_mem>>) src(%dma_wait3A_30 : memref<40x250xi32, #tpu.memory_space<hbm>>) dst(%arg5 : memref<40x250xi32, #tpu.memory_space<vmem>>)
      tpu.yield
    }) : () -> ()
    "tpu.region"() ({
      %run_scoped3A = tpu.sem_alloc : memref<!tpu.dma_semaphore, #tpu.memory_space<semaphore_mem>>
      tpu.enqueue_dma source(%arg3 : memref<250x16xf32, #tpu.memory_space<hbm>>) target(%arg6 : memref<250x16xf32, #tpu.memory_space<vmem>>) target_semaphore(%run_scoped3A : memref<!tpu.dma_semaphore, #tpu.memory_space<semaphore_mem>>)
      tpu.wait_dma2 semaphore(%run_scoped3A : memref<!tpu.dma_semaphore, #tpu.memory_space<semaphore_mem>>) src(%arg3 : memref<250x16xf32, #tpu.memory_space<hbm>>) dst(%arg6 : memref<250x16xf32, #tpu.memory_space<vmem>>)
      tpu.yield
    }) : () -> ()
    %barrier3A = arith.constant 0 : index
    tpu.barrier barrier_id(%barrier3A)
    %scan3A_7 = arith.constant 0 : i32
    %scan3A_8 = arith.constant 0 : i32
    %scan3A_9 = arith.constant 40 : i32
    %scan3A_10 = arith.addi %scan3A_8, %scan3A_9 : i32
    %scan3A_11 = arith.constant 1 : i32
    %scan3A_12 = scf.for %scan3A_17 = %scan3A_8 to %scan3A_10 step %scan3A_11 iter_args(%scan3A_18 = %scan3A_7) -> (i32)  : i32 {
      "tpu.region"() ({
        %run_scoped3A = tpu.sem_alloc : memref<!tpu.dma_semaphore, #tpu.memory_space<semaphore_mem>>
        %dma_start3A = arith.constant 0 : i32
        %dma_start3A_20 = tpu.memref_slice %arg5[%scan3A_17, %dma_start3A] : memref<40x250xi32, #tpu.memory_space<vmem>> -> memref<1x250xi32, #tpu.memory_space<vmem>>
        %dma_start3A_21 = tpu.memref_squeeze %dma_start3A_20 : memref<1x250xi32, #tpu.memory_space<vmem>> -> memref<250xi32, #tpu.memory_space<vmem>>
        %dma_start3A_22 = arith.constant 0 : i32
        %dma_start3A_23 = arith.constant 0 : i32
        %dma_start3A_24 = tpu.memref_slice %arg8[%dma_start3A_22, %dma_start3A_23] : memref<10000x16xf32, #tpu.memory_space<vmem_shared>> -> memref<10000x16xf32, #tpu.memory_space<vmem_shared>>
        tpu.enqueue_indirect_dma source(%arg6 : memref<250x16xf32, #tpu.memory_space<vmem>>) target(%dma_start3A_24 : memref<10000x16xf32, #tpu.memory_space<vmem_shared>>) offsets(%dma_start3A_21 : memref<250xi32, #tpu.memory_space<vmem>>) semaphore(%run_scoped3A : memref<!tpu.dma_semaphore, #tpu.memory_space<semaphore_mem>>) {add = true}
        %dma_wait3A = arith.constant 0 : i32
        %dma_wait3A_25 = tpu.memref_slice %arg5[%scan3A_17, %dma_wait3A] : memref<40x250xi32, #tpu.memory_space<vmem>> -> memref<1x250xi32, #tpu.memory_space<vmem>>
        %dma_wait3A_26 = tpu.memref_squeeze %dma_wait3A_25 : memref<1x250xi32, #tpu.memory_space<vmem>> -> memref<250xi32, #tpu.memory_space<vmem>>
        %dma_wait3A_27 = arith.constant 0 : i32
        %dma_wait3A_28 = arith.constant 0 : i32
        %dma_wait3A_29 = tpu.memref_slice %arg8[%dma_wait3A_27, %dma_wait3A_28] : memref<10000x16xf32, #tpu.memory_space<vmem_shared>> -> memref<10000x16xf32, #tpu.memory_space<vmem_shared>>
        tpu.wait_indirect_dma semaphore(%run_scoped3A : memref<!tpu.dma_semaphore, #tpu.memory_space<semaphore_mem>>) src(%arg6 : memref<250x16xf32, #tpu.memory_space<vmem>>) dst(%dma_wait3A_29 : memref<10000x16xf32, #tpu.memory_space<vmem_shared>>)
        tpu.yield
      }) : () -> ()
      %scan3A_19 = arith.constant 0 : i32
      scf.yield %scan3A_19 : i32
    }
    %scan3A_13 = arith.constant 40 : i32
    %barrier3A_14 = arith.constant 0 : index
    tpu.barrier barrier_id(%barrier3A_14)
    %mul3A_15 = arith.constant 625 : i32
    %mul3A_16 = arith.muli %arg1, %mul3A_15 : i32
    "tpu.region"() ({
      %run_scoped3A = tpu.sem_alloc : memref<!tpu.dma_semaphore, #tpu.memory_space<semaphore_mem>>
      %dma_start3A = arith.constant 0 : i32
      %dma_start3A_17 = arith.constant 0 : i32
      %dma_start3A_18 = tpu.memref_slice %arg4[%arg0, %arg1, %dma_start3A, %dma_start3A_17] : memref<2x16x625x16xf32, #tpu.memory_space<hbm>> -> memref<1x1x625x16xf32, #tpu.memory_space<hbm>>
      %dma_start3A_19 = tpu.memref_squeeze %dma_start3A_18 : memref<1x1x625x16xf32, #tpu.memory_space<hbm>> -> memref<625x16xf32, #tpu.memory_space<hbm>>
      %dma_start3A_20 = arith.constant 0 : i32
      %dma_start3A_21 = tpu.memref_slice %arg8[%mul3A_16, %dma_start3A_20] : memref<10000x16xf32, #tpu.memory_space<vmem_shared>> -> memref<625x16xf32, #tpu.memory_space<vmem_shared>>
      tpu.enqueue_dma source(%dma_start3A_21 : memref<625x16xf32, #tpu.memory_space<vmem_shared>>) target(%dma_start3A_19 : memref<625x16xf32, #tpu.memory_space<hbm>>) target_semaphore(%run_scoped3A : memref<!tpu.dma_semaphore, #tpu.memory_space<semaphore_mem>>)
      %dma_wait3A = arith.constant 0 : i32
      %dma_wait3A_22 = arith.constant 0 : i32
      %dma_wait3A_23 = tpu.memref_slice %arg4[%arg0, %arg1, %dma_wait3A, %dma_wait3A_22] : memref<2x16x625x16xf32, #tpu.memory_space<hbm>> -> memref<1x1x625x16xf32, #tpu.memory_space<hbm>>
      %dma_wait3A_24 = tpu.memref_squeeze %dma_wait3A_23 : memref<1x1x625x16xf32, #tpu.memory_space<hbm>> -> memref<625x16xf32, #tpu.memory_space<hbm>>
      %dma_wait3A_25 = arith.constant 0 : i32
      %dma_wait3A_26 = tpu.memref_slice %arg8[%mul3A_16, %dma_wait3A_25] : memref<10000x16xf32, #tpu.memory_space<vmem_shared>> -> memref<625x16xf32, #tpu.memory_space<vmem_shared>>
      tpu.wait_dma2 semaphore(%run_scoped3A : memref<!tpu.dma_semaphore, #tpu.memory_space<semaphore_mem>>) src(%dma_wait3A_26 : memref<625x16xf32, #tpu.memory_space<vmem_shared>>) dst(%dma_wait3A_24 : memref<625x16xf32, #tpu.memory_space<hbm>>)
      tpu.yield
    }) : () -> ()
    return
  }
}

#map = affine_map<(d0, d1) -> (0, 0, 0, 0)>
#map1 = affine_map<(d0, d1) -> (0, 0)>
module attributes {stable_mosaic.version = 14 : i64} {
  func.func @_sc_edges(%arg0: i32, %arg1: i32, %arg2: memref<2x16x40x250xi32, #tpu.memory_space<hbm>>, %arg3: memref<2x16x40x250xi32, #tpu.memory_space<hbm>>, %arg4: memref<10000x128xf32, #tpu.memory_space<hbm>>, %arg5: memref<2x16x625x128xf32, #tpu.memory_space<hbm>>, %arg6: memref<40x250xi32, #tpu.memory_space<vmem>>, %arg7: memref<20x250xi32, #tpu.memory_space<vmem>>, %arg8: memref<250x128xf32, #tpu.memory_space<vmem>>, %arg9: memref<10000x128xf32, #tpu.memory_space<vmem_shared>>, %arg10: memref<!tpu.dma_semaphore, #tpu.memory_space<semaphore_mem>>) attributes {dimension_semantics = [#tpu.dimension_semantics<core_parallel>, #tpu.dimension_semantics<subcore_parallel>], iteration_bounds = array<i64: 2, 16>, scalar_prefetch = 0 : i64, scratch_operands = 5 : i64, tpu.core_type = #tpu.core_type<sc_vector_subcore>, window_params = [{transform_indices = #map}, {transform_indices = #map}, {transform_indices = #map1}, {transform_indices = #map}]} {
    %scan3A = arith.constant 0 : i32
    %scan3A_0 = arith.constant 0 : i32
    %scan3A_1 = arith.constant 250 : i32
    %scan3A_2 = arith.addi %scan3A_0, %scan3A_1 : i32
    %scan3A_3 = arith.constant 1 : i32
    %scan3A_4 = scf.for %scan3A_33 = %scan3A_0 to %scan3A_2 step %scan3A_3 iter_args(%scan3A_34 = %scan3A) -> (i32)  : i32 {
      %broadcast_in_dim3A = arith.constant 0.000000e+00 : f32
      %broadcast_in_dim3A_35 = vector.broadcast %broadcast_in_dim3A : f32 to vector<16xf32>
      %swap3A = arith.index_cast %scan3A_33 : i32 to index
      %swap3A_36 = arith.constant 0 : index
      %swap3A_37 = tpu.vector_load %arg8[%swap3A, %swap3A_36] {strides = array<i32>} : memref<250x128xf32, #tpu.memory_space<vmem>>, vector<1x16xf32>,
      %swap3A_38 = vector.shape_cast %swap3A_37 : vector<1x16xf32> to vector<16xf32>
      %swap3A_39 = vector.shape_cast %broadcast_in_dim3A_35 : vector<16xf32> to vector<1x16xf32>
      tpu.vector_store %arg8[%swap3A, %swap3A_36], %swap3A_39 {strides = array<i32>} : memref<250x128xf32, #tpu.memory_space<vmem>>, vector<1x16xf32>,
      %broadcast_in_dim3A_40 = arith.constant 0.000000e+00 : f32
      %broadcast_in_dim3A_41 = vector.broadcast %broadcast_in_dim3A_40 : f32 to vector<16xf32>
      %swap3A_42 = arith.index_cast %scan3A_33 : i32 to index
      %swap3A_43 = arith.constant 16 : index
      %swap3A_44 = tpu.vector_load %arg8[%swap3A_42, %swap3A_43] {strides = array<i32>} : memref<250x128xf32, #tpu.memory_space<vmem>>, vector<1x16xf32>,
      %swap3A_45 = vector.shape_cast %swap3A_44 : vector<1x16xf32> to vector<16xf32>
      %swap3A_46 = vector.shape_cast %broadcast_in_dim3A_41 : vector<16xf32> to vector<1x16xf32>
      tpu.vector_store %arg8[%swap3A_42, %swap3A_43], %swap3A_46 {strides = array<i32>} : memref<250x128xf32, #tpu.memory_space<vmem>>, vector<1x16xf32>,
      %broadcast_in_dim3A_47 = arith.constant 0.000000e+00 : f32
      %broadcast_in_dim3A_48 = vector.broadcast %broadcast_in_dim3A_47 : f32 to vector<16xf32>
      %swap3A_49 = arith.index_cast %scan3A_33 : i32 to index
      %swap3A_50 = arith.constant 32 : index
      %swap3A_51 = tpu.vector_load %arg8[%swap3A_49, %swap3A_50] {strides = array<i32>} : memref<250x128xf32, #tpu.memory_space<vmem>>, vector<1x16xf32>,
      %swap3A_52 = vector.shape_cast %swap3A_51 : vector<1x16xf32> to vector<16xf32>
      %swap3A_53 = vector.shape_cast %broadcast_in_dim3A_48 : vector<16xf32> to vector<1x16xf32>
      tpu.vector_store %arg8[%swap3A_49, %swap3A_50], %swap3A_53 {strides = array<i32>} : memref<250x128xf32, #tpu.memory_space<vmem>>, vector<1x16xf32>,
      %broadcast_in_dim3A_54 = arith.constant 0.000000e+00 : f32
      %broadcast_in_dim3A_55 = vector.broadcast %broadcast_in_dim3A_54 : f32 to vector<16xf32>
      %swap3A_56 = arith.index_cast %scan3A_33 : i32 to index
      %swap3A_57 = arith.constant 48 : index
      %swap3A_58 = tpu.vector_load %arg8[%swap3A_56, %swap3A_57] {strides = array<i32>} : memref<250x128xf32, #tpu.memory_space<vmem>>, vector<1x16xf32>,
      %swap3A_59 = vector.shape_cast %swap3A_58 : vector<1x16xf32> to vector<16xf32>
      %swap3A_60 = vector.shape_cast %broadcast_in_dim3A_55 : vector<16xf32> to vector<1x16xf32>
      tpu.vector_store %arg8[%swap3A_56, %swap3A_57], %swap3A_60 {strides = array<i32>} : memref<250x128xf32, #tpu.memory_space<vmem>>, vector<1x16xf32>,
      %broadcast_in_dim3A_61 = arith.constant 0.000000e+00 : f32
      %broadcast_in_dim3A_62 = vector.broadcast %broadcast_in_dim3A_61 : f32 to vector<16xf32>
      %swap3A_63 = arith.index_cast %scan3A_33 : i32 to index
      %swap3A_64 = arith.constant 64 : index
      %swap3A_65 = tpu.vector_load %arg8[%swap3A_63, %swap3A_64] {strides = array<i32>} : memref<250x128xf32, #tpu.memory_space<vmem>>, vector<1x16xf32>,
      %swap3A_66 = vector.shape_cast %swap3A_65 : vector<1x16xf32> to vector<16xf32>
      %swap3A_67 = vector.shape_cast %broadcast_in_dim3A_62 : vector<16xf32> to vector<1x16xf32>
      tpu.vector_store %arg8[%swap3A_63, %swap3A_64], %swap3A_67 {strides = array<i32>} : memref<250x128xf32, #tpu.memory_space<vmem>>, vector<1x16xf32>,
      %broadcast_in_dim3A_68 = arith.constant 0.000000e+00 : f32
      %broadcast_in_dim3A_69 = vector.broadcast %broadcast_in_dim3A_68 : f32 to vector<16xf32>
      %swap3A_70 = arith.index_cast %scan3A_33 : i32 to index
      %swap3A_71 = arith.constant 80 : index
      %swap3A_72 = tpu.vector_load %arg8[%swap3A_70, %swap3A_71] {strides = array<i32>} : memref<250x128xf32, #tpu.memory_space<vmem>>, vector<1x16xf32>,
      %swap3A_73 = vector.shape_cast %swap3A_72 : vector<1x16xf32> to vector<16xf32>
      %swap3A_74 = vector.shape_cast %broadcast_in_dim3A_69 : vector<16xf32> to vector<1x16xf32>
      tpu.vector_store %arg8[%swap3A_70, %swap3A_71], %swap3A_74 {strides = array<i32>} : memref<250x128xf32, #tpu.memory_space<vmem>>, vector<1x16xf32>,
      %broadcast_in_dim3A_75 = arith.constant 0.000000e+00 : f32
      %broadcast_in_dim3A_76 = vector.broadcast %broadcast_in_dim3A_75 : f32 to vector<16xf32>
      %swap3A_77 = arith.index_cast %scan3A_33 : i32 to index
      %swap3A_78 = arith.constant 96 : index
      %swap3A_79 = tpu.vector_load %arg8[%swap3A_77, %swap3A_78] {strides = array<i32>} : memref<250x128xf32, #tpu.memory_space<vmem>>, vector<1x16xf32>,
      %swap3A_80 = vector.shape_cast %swap3A_79 : vector<1x16xf32> to vector<16xf32>
      %swap3A_81 = vector.shape_cast %broadcast_in_dim3A_76 : vector<16xf32> to vector<1x16xf32>
      tpu.vector_store %arg8[%swap3A_77, %swap3A_78], %swap3A_81 {strides = array<i32>} : memref<250x128xf32, #tpu.memory_space<vmem>>, vector<1x16xf32>,
      %broadcast_in_dim3A_82 = arith.constant 0.000000e+00 : f32
      %broadcast_in_dim3A_83 = vector.broadcast %broadcast_in_dim3A_82 : f32 to vector<16xf32>
      %swap3A_84 = arith.index_cast %scan3A_33 : i32 to index
      %swap3A_85 = arith.constant 112 : index
      %swap3A_86 = tpu.vector_load %arg8[%swap3A_84, %swap3A_85] {strides = array<i32>} : memref<250x128xf32, #tpu.memory_space<vmem>>, vector<1x16xf32>,
      %swap3A_87 = vector.shape_cast %swap3A_86 : vector<1x16xf32> to vector<16xf32>
      %swap3A_88 = vector.shape_cast %broadcast_in_dim3A_83 : vector<16xf32> to vector<1x16xf32>
      tpu.vector_store %arg8[%swap3A_84, %swap3A_85], %swap3A_88 {strides = array<i32>} : memref<250x128xf32, #tpu.memory_space<vmem>>, vector<1x16xf32>,
      %scan3A_89 = arith.constant 0 : i32
      scf.yield %scan3A_89 : i32
    }
    %scan3A_5 = arith.constant 250 : i32
    %mul3A = arith.constant 625 : i32
    %mul3A_6 = arith.muli %arg1, %mul3A : i32
    %add3A = arith.constant 0 : i32
    %add3A_7 = arith.addi %mul3A_6, %add3A : i32
    "tpu.region"() ({
      %run_scoped3A = tpu.sem_alloc : memref<!tpu.dma_semaphore, #tpu.memory_space<semaphore_mem>>
      %dma_start3A = arith.constant 0 : i32
      %dma_start3A_33 = tpu.memref_slice %arg9[%add3A_7, %dma_start3A] : memref<10000x128xf32, #tpu.memory_space<vmem_shared>> -> memref<250x128xf32, #tpu.memory_space<vmem_shared>>
      %dma_start3A_34 = arith.constant 0 : i32
      %dma_start3A_35 = tpu.memref_slice %arg9[%add3A_7, %dma_start3A_34] : memref<10000x128xf32, #tpu.memory_space<vmem_shared>> -> memref<250x128xf32, #tpu.memory_space<vmem_shared>>
      tpu.enqueue_dma source(%arg8 : memref<250x128xf32, #tpu.memory_space<vmem>>) target(%dma_start3A_35 : memref<250x128xf32, #tpu.memory_space<vmem_shared>>) target_semaphore(%run_scoped3A : memref<!tpu.dma_semaphore, #tpu.memory_space<semaphore_mem>>)
      %dma_wait3A = arith.constant 0 : i32
      %dma_wait3A_36 = tpu.memref_slice %arg9[%add3A_7, %dma_wait3A] : memref<10000x128xf32, #tpu.memory_space<vmem_shared>> -> memref<250x128xf32, #tpu.memory_space<vmem_shared>>
      %dma_wait3A_37 = arith.constant 0 : i32
      %dma_wait3A_38 = tpu.memref_slice %arg9[%add3A_7, %dma_wait3A_37] : memref<10000x128xf32, #tpu.memory_space<vmem_shared>> -> memref<250x128xf32, #tpu.memory_space<vmem_shared>>
      tpu.wait_dma2 semaphore(%run_scoped3A : memref<!tpu.dma_semaphore, #tpu.memory_space<semaphore_mem>>) src(%arg8 : memref<250x128xf32, #tpu.memory_space<vmem>>) dst(%dma_wait3A_38 : memref<250x128xf32, #tpu.memory_space<vmem_shared>>)
      tpu.yield
    }) : () -> ()
    %mul3A_8 = arith.constant 625 : i32
    %mul3A_9 = arith.muli %arg1, %mul3A_8 : i32
    %add3A_10 = arith.constant 250 : i32
    %add3A_11 = arith.addi %mul3A_9, %add3A_10 : i32
    "tpu.region"() ({
      %run_scoped3A = tpu.sem_alloc : memref<!tpu.dma_semaphore, #tpu.memory_space<semaphore_mem>>
      %dma_start3A = arith.constant 0 : i32
      %dma_start3A_33 = tpu.memref_slice %arg9[%add3A_11, %dma_start3A] : memref<10000x128xf32, #tpu.memory_space<vmem_shared>> -> memref<250x128xf32, #tpu.memory_space<vmem_shared>>
      %dma_start3A_34 = arith.constant 0 : i32
      %dma_start3A_35 = tpu.memref_slice %arg9[%add3A_11, %dma_start3A_34] : memref<10000x128xf32, #tpu.memory_space<vmem_shared>> -> memref<250x128xf32, #tpu.memory_space<vmem_shared>>
      tpu.enqueue_dma source(%arg8 : memref<250x128xf32, #tpu.memory_space<vmem>>) target(%dma_start3A_35 : memref<250x128xf32, #tpu.memory_space<vmem_shared>>) target_semaphore(%run_scoped3A : memref<!tpu.dma_semaphore, #tpu.memory_space<semaphore_mem>>)
      %dma_wait3A = arith.constant 0 : i32
      %dma_wait3A_36 = tpu.memref_slice %arg9[%add3A_11, %dma_wait3A] : memref<10000x128xf32, #tpu.memory_space<vmem_shared>> -> memref<250x128xf32, #tpu.memory_space<vmem_shared>>
      %dma_wait3A_37 = arith.constant 0 : i32
      %dma_wait3A_38 = tpu.memref_slice %arg9[%add3A_11, %dma_wait3A_37] : memref<10000x128xf32, #tpu.memory_space<vmem_shared>> -> memref<250x128xf32, #tpu.memory_space<vmem_shared>>
      tpu.wait_dma2 semaphore(%run_scoped3A : memref<!tpu.dma_semaphore, #tpu.memory_space<semaphore_mem>>) src(%arg8 : memref<250x128xf32, #tpu.memory_space<vmem>>) dst(%dma_wait3A_38 : memref<250x128xf32, #tpu.memory_space<vmem_shared>>)
      tpu.yield
    }) : () -> ()
    %mul3A_12 = arith.constant 625 : i32
    %mul3A_13 = arith.muli %arg1, %mul3A_12 : i32
    %add3A_14 = arith.constant 500 : i32
    %add3A_15 = arith.addi %mul3A_13, %add3A_14 : i32
    "tpu.region"() ({
      %run_scoped3A = tpu.sem_alloc : memref<!tpu.dma_semaphore, #tpu.memory_space<semaphore_mem>>
      %dma_start3A = arith.constant 0 : i32
      %dma_start3A_33 = arith.constant 0 : i32
      %dma_start3A_34 = tpu.memref_slice %arg8[%dma_start3A, %dma_start3A_33] : memref<250x128xf32, #tpu.memory_space<vmem>> -> memref<125x128xf32, #tpu.memory_space<vmem>>
      %dma_start3A_35 = arith.constant 0 : i32
      %dma_start3A_36 = tpu.memref_slice %arg9[%add3A_15, %dma_start3A_35] : memref<10000x128xf32, #tpu.memory_space<vmem_shared>> -> memref<125x128xf32, #tpu.memory_space<vmem_shared>>
      %dma_start3A_37 = arith.constant 0 : i32
      %dma_start3A_38 = tpu.memref_slice %arg9[%add3A_15, %dma_start3A_37] : memref<10000x128xf32, #tpu.memory_space<vmem_shared>> -> memref<125x128xf32, #tpu.memory_space<vmem_shared>>
      %dma_start3A_39 = arith.constant 0 : i32
      %dma_start3A_40 = arith.constant 0 : i32
      %dma_start3A_41 = tpu.memref_slice %arg8[%dma_start3A_39, %dma_start3A_40] : memref<250x128xf32, #tpu.memory_space<vmem>> -> memref<125x128xf32, #tpu.memory_space<vmem>>
      tpu.enqueue_dma source(%dma_start3A_41 : memref<125x128xf32, #tpu.memory_space<vmem>>) target(%dma_start3A_38 : memref<125x128xf32, #tpu.memory_space<vmem_shared>>) target_semaphore(%run_scoped3A : memref<!tpu.dma_semaphore, #tpu.memory_space<semaphore_mem>>)
      %dma_wait3A = arith.constant 0 : i32
      %dma_wait3A_42 = arith.constant 0 : i32
      %dma_wait3A_43 = tpu.memref_slice %arg8[%dma_wait3A, %dma_wait3A_42] : memref<250x128xf32, #tpu.memory_space<vmem>> -> memref<125x128xf32, #tpu.memory_space<vmem>>
      %dma_wait3A_44 = arith.constant 0 : i32
      %dma_wait3A_45 = tpu.memref_slice %arg9[%add3A_15, %dma_wait3A_44] : memref<10000x128xf32, #tpu.memory_space<vmem_shared>> -> memref<125x128xf32, #tpu.memory_space<vmem_shared>>
      %dma_wait3A_46 = arith.constant 0 : i32
      %dma_wait3A_47 = tpu.memref_slice %arg9[%add3A_15, %dma_wait3A_46] : memref<10000x128xf32, #tpu.memory_space<vmem_shared>> -> memref<125x128xf32, #tpu.memory_space<vmem_shared>>
      %dma_wait3A_48 = arith.constant 0 : i32
      %dma_wait3A_49 = arith.constant 0 : i32
      %dma_wait3A_50 = tpu.memref_slice %arg8[%dma_wait3A_48, %dma_wait3A_49] : memref<250x128xf32, #tpu.memory_space<vmem>> -> memref<125x128xf32, #tpu.memory_space<vmem>>
      tpu.wait_dma2 semaphore(%run_scoped3A : memref<!tpu.dma_semaphore, #tpu.memory_space<semaphore_mem>>) src(%dma_wait3A_50 : memref<125x128xf32, #tpu.memory_space<vmem>>) dst(%dma_wait3A_47 : memref<125x128xf32, #tpu.memory_space<vmem_shared>>)
      tpu.yield
    }) : () -> ()
    "tpu.region"() ({
      %run_scoped3A = tpu.sem_alloc : memref<!tpu.dma_semaphore, #tpu.memory_space<semaphore_mem>>
      %dma_start3A = arith.constant 0 : i32
      %dma_start3A_33 = arith.constant 0 : i32
      %dma_start3A_34 = tpu.memref_slice %arg2[%arg0, %arg1, %dma_start3A, %dma_start3A_33] : memref<2x16x40x250xi32, #tpu.memory_space<hbm>> -> memref<1x1x40x250xi32, #tpu.memory_space<hbm>>
      %dma_start3A_35 = tpu.memref_squeeze %dma_start3A_34 : memref<1x1x40x250xi32, #tpu.memory_space<hbm>> -> memref<40x250xi32, #tpu.memory_space<hbm>>
      %dma_start3A_36 = arith.constant 0 : i32
      %dma_start3A_37 = arith.constant 0 : i32
      %dma_start3A_38 = tpu.memref_slice %arg2[%arg0, %arg1, %dma_start3A_36, %dma_start3A_37] : memref<2x16x40x250xi32, #tpu.memory_space<hbm>> -> memref<1x1x40x250xi32, #tpu.memory_space<hbm>>
      %dma_start3A_39 = tpu.memref_squeeze %dma_start3A_38 : memref<1x1x40x250xi32, #tpu.memory_space<hbm>> -> memref<40x250xi32, #tpu.memory_space<hbm>>
      tpu.enqueue_dma source(%dma_start3A_39 : memref<40x250xi32, #tpu.memory_space<hbm>>) target(%arg6 : memref<40x250xi32, #tpu.memory_space<vmem>>) target_semaphore(%run_scoped3A : memref<!tpu.dma_semaphore, #tpu.memory_space<semaphore_mem>>)
      %dma_wait3A = arith.constant 0 : i32
      %dma_wait3A_40 = arith.constant 0 : i32
      %dma_wait3A_41 = tpu.memref_slice %arg2[%arg0, %arg1, %dma_wait3A, %dma_wait3A_40] : memref<2x16x40x250xi32, #tpu.memory_space<hbm>> -> memref<1x1x40x250xi32, #tpu.memory_space<hbm>>
      %dma_wait3A_42 = tpu.memref_squeeze %dma_wait3A_41 : memref<1x1x40x250xi32, #tpu.memory_space<hbm>> -> memref<40x250xi32, #tpu.memory_space<hbm>>
      %dma_wait3A_43 = arith.constant 0 : i32
      %dma_wait3A_44 = arith.constant 0 : i32
      %dma_wait3A_45 = tpu.memref_slice %arg2[%arg0, %arg1, %dma_wait3A_43, %dma_wait3A_44] : memref<2x16x40x250xi32, #tpu.memory_space<hbm>> -> memref<1x1x40x250xi32, #tpu.memory_space<hbm>>
      %dma_wait3A_46 = tpu.memref_squeeze %dma_wait3A_45 : memref<1x1x40x250xi32, #tpu.memory_space<hbm>> -> memref<40x250xi32, #tpu.memory_space<hbm>>
      tpu.wait_dma2 semaphore(%run_scoped3A : memref<!tpu.dma_semaphore, #tpu.memory_space<semaphore_mem>>) src(%dma_wait3A_46 : memref<40x250xi32, #tpu.memory_space<hbm>>) dst(%arg6 : memref<40x250xi32, #tpu.memory_space<vmem>>)
      tpu.yield
    }) : () -> ()
    "tpu.region"() ({
      %run_scoped3A = tpu.sem_alloc : memref<!tpu.dma_semaphore, #tpu.memory_space<semaphore_mem>>
      %dma_start3A = arith.constant 0 : i32
      %dma_start3A_33 = arith.constant 0 : i32
      %dma_start3A_34 = tpu.memref_slice %arg3[%arg0, %arg1, %dma_start3A, %dma_start3A_33] : memref<2x16x40x250xi32, #tpu.memory_space<hbm>> -> memref<1x1x20x250xi32, #tpu.memory_space<hbm>>
      %dma_start3A_35 = tpu.memref_squeeze %dma_start3A_34 : memref<1x1x20x250xi32, #tpu.memory_space<hbm>> -> memref<20x250xi32, #tpu.memory_space<hbm>>
      %dma_start3A_36 = arith.constant 0 : i32
      %dma_start3A_37 = arith.constant 0 : i32
      %dma_start3A_38 = tpu.memref_slice %arg3[%arg0, %arg1, %dma_start3A_36, %dma_start3A_37] : memref<2x16x40x250xi32, #tpu.memory_space<hbm>> -> memref<1x1x20x250xi32, #tpu.memory_space<hbm>>
      %dma_start3A_39 = tpu.memref_squeeze %dma_start3A_38 : memref<1x1x20x250xi32, #tpu.memory_space<hbm>> -> memref<20x250xi32, #tpu.memory_space<hbm>>
      tpu.enqueue_dma source(%dma_start3A_39 : memref<20x250xi32, #tpu.memory_space<hbm>>) target(%arg7 : memref<20x250xi32, #tpu.memory_space<vmem>>) target_semaphore(%run_scoped3A : memref<!tpu.dma_semaphore, #tpu.memory_space<semaphore_mem>>)
      %dma_wait3A = arith.constant 0 : i32
      %dma_wait3A_40 = arith.constant 0 : i32
      %dma_wait3A_41 = tpu.memref_slice %arg3[%arg0, %arg1, %dma_wait3A, %dma_wait3A_40] : memref<2x16x40x250xi32, #tpu.memory_space<hbm>> -> memref<1x1x20x250xi32, #tpu.memory_space<hbm>>
      %dma_wait3A_42 = tpu.memref_squeeze %dma_wait3A_41 : memref<1x1x20x250xi32, #tpu.memory_space<hbm>> -> memref<20x250xi32, #tpu.memory_space<hbm>>
      %dma_wait3A_43 = arith.constant 0 : i32
      %dma_wait3A_44 = arith.constant 0 : i32
      %dma_wait3A_45 = tpu.memref_slice %arg3[%arg0, %arg1, %dma_wait3A_43, %dma_wait3A_44] : memref<2x16x40x250xi32, #tpu.memory_space<hbm>> -> memref<1x1x20x250xi32, #tpu.memory_space<hbm>>
      %dma_wait3A_46 = tpu.memref_squeeze %dma_wait3A_45 : memref<1x1x20x250xi32, #tpu.memory_space<hbm>> -> memref<20x250xi32, #tpu.memory_space<hbm>>
      tpu.wait_dma2 semaphore(%run_scoped3A : memref<!tpu.dma_semaphore, #tpu.memory_space<semaphore_mem>>) src(%dma_wait3A_46 : memref<20x250xi32, #tpu.memory_space<hbm>>) dst(%arg7 : memref<20x250xi32, #tpu.memory_space<vmem>>)
      tpu.yield
    }) : () -> ()
    %barrier3A = arith.constant 0 : index
    tpu.barrier barrier_id(%barrier3A)
    %scan3A_16 = arith.constant 0 : i32
    %scan3A_17 = arith.constant 0 : i32
    %scan3A_18 = arith.constant 20 : i32
    %scan3A_19 = arith.addi %scan3A_17, %scan3A_18 : i32
    %scan3A_20 = arith.constant 1 : i32
    %scan3A_21 = scf.for %scan3A_33 = %scan3A_17 to %scan3A_19 step %scan3A_20 iter_args(%scan3A_34 = %scan3A_16) -> (i32)  : i32 {
      %add3A_35 = arith.constant 0 : i32
      %add3A_36 = arith.addi %add3A_35, %scan3A_33 : i32
      %dma_start3A = arith.constant 0 : i32
      %dma_start3A_37 = tpu.memref_slice %arg6[%add3A_36, %dma_start3A] : memref<40x250xi32, #tpu.memory_space<vmem>> -> memref<1x250xi32, #tpu.memory_space<vmem>>
      %dma_start3A_38 = tpu.memref_squeeze %dma_start3A_37 : memref<1x250xi32, #tpu.memory_space<vmem>> -> memref<250xi32, #tpu.memory_space<vmem>>
      %dma_start3A_39 = arith.constant 0 : i32
      %dma_start3A_40 = arith.constant 0 : i32
      %dma_start3A_41 = tpu.memref_slice %arg4[%dma_start3A_39, %dma_start3A_40] : memref<10000x128xf32, #tpu.memory_space<hbm>> -> memref<10000x128xf32, #tpu.memory_space<hbm>>
      tpu.enqueue_indirect_dma source(%dma_start3A_41 : memref<10000x128xf32, #tpu.memory_space<hbm>>) target(%arg8 : memref<250x128xf32, #tpu.memory_space<vmem>>) offsets(%dma_start3A_38 : memref<250xi32, #tpu.memory_space<vmem>>) semaphore(%arg10 : memref<!tpu.dma_semaphore, #tpu.memory_space<semaphore_mem>>)
      %dma_wait3A = arith.constant 0 : i32
      %dma_wait3A_42 = tpu.memref_slice %arg6[%add3A_36, %dma_wait3A] : memref<40x250xi32, #tpu.memory_space<vmem>> -> memref<1x250xi32, #tpu.memory_space<vmem>>
      %dma_wait3A_43 = tpu.memref_squeeze %dma_wait3A_42 : memref<1x250xi32, #tpu.memory_space<vmem>> -> memref<250xi32, #tpu.memory_space<vmem>>
      %dma_wait3A_44 = arith.constant 0 : i32
      %dma_wait3A_45 = arith.constant 0 : i32
      %dma_wait3A_46 = tpu.memref_slice %arg4[%dma_wait3A_44, %dma_wait3A_45] : memref<10000x128xf32, #tpu.memory_space<hbm>> -> memref<10000x128xf32, #tpu.memory_space<hbm>>
      tpu.wait_indirect_dma semaphore(%arg10 : memref<!tpu.dma_semaphore, #tpu.memory_space<semaphore_mem>>) src(%dma_wait3A_46 : memref<10000x128xf32, #tpu.memory_space<hbm>>) dst(%arg8 : memref<250x128xf32, #tpu.memory_space<vmem>>)
      "tpu.region"() ({
        %run_scoped3A = tpu.sem_alloc : memref<!tpu.dma_semaphore, #tpu.memory_space<semaphore_mem>>
        %dma_start3A_48 = arith.constant 0 : i32
        %dma_start3A_49 = tpu.memref_slice %arg7[%scan3A_33, %dma_start3A_48] : memref<20x250xi32, #tpu.memory_space<vmem>> -> memref<1x250xi32, #tpu.memory_space<vmem>>
        %dma_start3A_50 = tpu.memref_squeeze %dma_start3A_49 : memref<1x250xi32, #tpu.memory_space<vmem>> -> memref<250xi32, #tpu.memory_space<vmem>>
        %dma_start3A_51 = arith.constant 0 : i32
        %dma_start3A_52 = arith.constant 0 : i32
        %dma_start3A_53 = tpu.memref_slice %arg9[%dma_start3A_51, %dma_start3A_52] : memref<10000x128xf32, #tpu.memory_space<vmem_shared>> -> memref<10000x128xf32, #tpu.memory_space<vmem_shared>>
        tpu.enqueue_indirect_dma source(%arg8 : memref<250x128xf32, #tpu.memory_space<vmem>>) target(%dma_start3A_53 : memref<10000x128xf32, #tpu.memory_space<vmem_shared>>) offsets(%dma_start3A_50 : memref<250xi32, #tpu.memory_space<vmem>>) semaphore(%run_scoped3A : memref<!tpu.dma_semaphore, #tpu.memory_space<semaphore_mem>>) {add = true}
        %dma_wait3A_54 = arith.constant 0 : i32
        %dma_wait3A_55 = tpu.memref_slice %arg7[%scan3A_33, %dma_wait3A_54] : memref<20x250xi32, #tpu.memory_space<vmem>> -> memref<1x250xi32, #tpu.memory_space<vmem>>
        %dma_wait3A_56 = tpu.memref_squeeze %dma_wait3A_55 : memref<1x250xi32, #tpu.memory_space<vmem>> -> memref<250xi32, #tpu.memory_space<vmem>>
        %dma_wait3A_57 = arith.constant 0 : i32
        %dma_wait3A_58 = arith.constant 0 : i32
        %dma_wait3A_59 = tpu.memref_slice %arg9[%dma_wait3A_57, %dma_wait3A_58] : memref<10000x128xf32, #tpu.memory_space<vmem_shared>> -> memref<10000x128xf32, #tpu.memory_space<vmem_shared>>
        tpu.wait_indirect_dma semaphore(%run_scoped3A : memref<!tpu.dma_semaphore, #tpu.memory_space<semaphore_mem>>) src(%arg8 : memref<250x128xf32, #tpu.memory_space<vmem>>) dst(%dma_wait3A_59 : memref<10000x128xf32, #tpu.memory_space<vmem_shared>>)
        tpu.yield
      }) : () -> ()
      %scan3A_47 = arith.constant 0 : i32
      scf.yield %scan3A_47 : i32
    }
    %scan3A_22 = arith.constant 20 : i32
    "tpu.region"() ({
      %run_scoped3A = tpu.sem_alloc : memref<!tpu.dma_semaphore, #tpu.memory_space<semaphore_mem>>
      %dma_start3A = arith.constant 20 : i32
      %dma_start3A_33 = arith.constant 0 : i32
      %dma_start3A_34 = tpu.memref_slice %arg3[%arg0, %arg1, %dma_start3A, %dma_start3A_33] : memref<2x16x40x250xi32, #tpu.memory_space<hbm>> -> memref<1x1x20x250xi32, #tpu.memory_space<hbm>>
      %dma_start3A_35 = tpu.memref_squeeze %dma_start3A_34 : memref<1x1x20x250xi32, #tpu.memory_space<hbm>> -> memref<20x250xi32, #tpu.memory_space<hbm>>
      %dma_start3A_36 = arith.constant 20 : i32
      %dma_start3A_37 = arith.constant 0 : i32
      %dma_start3A_38 = tpu.memref_slice %arg3[%arg0, %arg1, %dma_start3A_36, %dma_start3A_37] : memref<2x16x40x250xi32, #tpu.memory_space<hbm>> -> memref<1x1x20x250xi32, #tpu.memory_space<hbm>>
      %dma_start3A_39 = tpu.memref_squeeze %dma_start3A_38 : memref<1x1x20x250xi32, #tpu.memory_space<hbm>> -> memref<20x250xi32, #tpu.memory_space<hbm>>
      tpu.enqueue_dma source(%dma_start3A_39 : memref<20x250xi32, #tpu.memory_space<hbm>>) target(%arg7 : memref<20x250xi32, #tpu.memory_space<vmem>>) target_semaphore(%run_scoped3A : memref<!tpu.dma_semaphore, #tpu.memory_space<semaphore_mem>>)
      %dma_wait3A = arith.constant 20 : i32
      %dma_wait3A_40 = arith.constant 0 : i32
      %dma_wait3A_41 = tpu.memref_slice %arg3[%arg0, %arg1, %dma_wait3A, %dma_wait3A_40] : memref<2x16x40x250xi32, #tpu.memory_space<hbm>> -> memref<1x1x20x250xi32, #tpu.memory_space<hbm>>
      %dma_wait3A_42 = tpu.memref_squeeze %dma_wait3A_41 : memref<1x1x20x250xi32, #tpu.memory_space<hbm>> -> memref<20x250xi32, #tpu.memory_space<hbm>>
      %dma_wait3A_43 = arith.constant 20 : i32
      %dma_wait3A_44 = arith.constant 0 : i32
      %dma_wait3A_45 = tpu.memref_slice %arg3[%arg0, %arg1, %dma_wait3A_43, %dma_wait3A_44] : memref<2x16x40x250xi32, #tpu.memory_space<hbm>> -> memref<1x1x20x250xi32, #tpu.memory_space<hbm>>
      %dma_wait3A_46 = tpu.memref_squeeze %dma_wait3A_45 : memref<1x1x20x250xi32, #tpu.memory_space<hbm>> -> memref<20x250xi32, #tpu.memory_space<hbm>>
      tpu.wait_dma2 semaphore(%run_scoped3A : memref<!tpu.dma_semaphore, #tpu.memory_space<semaphore_mem>>) src(%dma_wait3A_46 : memref<20x250xi32, #tpu.memory_space<hbm>>) dst(%arg7 : memref<20x250xi32, #tpu.memory_space<vmem>>)
      tpu.yield
    }) : () -> ()
    %scan3A_23 = arith.constant 0 : i32
    %scan3A_24 = arith.constant 0 : i32
    %scan3A_25 = arith.constant 20 : i32
    %scan3A_26 = arith.addi %scan3A_24, %scan3A_25 : i32
    %scan3A_27 = arith.constant 1 : i32
    %scan3A_28 = scf.for %scan3A_33 = %scan3A_24 to %scan3A_26 step %scan3A_27 iter_args(%scan3A_34 = %scan3A_23) -> (i32)  : i32 {
      %add3A_35 = arith.constant 20 : i32
      %add3A_36 = arith.addi %add3A_35, %scan3A_33 : i32
      %dma_start3A = arith.constant 0 : i32
      %dma_start3A_37 = tpu.memref_slice %arg6[%add3A_36, %dma_start3A] : memref<40x250xi32, #tpu.memory_space<vmem>> -> memref<1x250xi32, #tpu.memory_space<vmem>>
      %dma_start3A_38 = tpu.memref_squeeze %dma_start3A_37 : memref<1x250xi32, #tpu.memory_space<vmem>> -> memref<250xi32, #tpu.memory_space<vmem>>
      %dma_start3A_39 = arith.constant 0 : i32
      %dma_start3A_40 = arith.constant 0 : i32
      %dma_start3A_41 = tpu.memref_slice %arg4[%dma_start3A_39, %dma_start3A_40] : memref<10000x128xf32, #tpu.memory_space<hbm>> -> memref<10000x128xf32, #tpu.memory_space<hbm>>
      tpu.enqueue_indirect_dma source(%dma_start3A_41 : memref<10000x128xf32, #tpu.memory_space<hbm>>) target(%arg8 : memref<250x128xf32, #tpu.memory_space<vmem>>) offsets(%dma_start3A_38 : memref<250xi32, #tpu.memory_space<vmem>>) semaphore(%arg10 : memref<!tpu.dma_semaphore, #tpu.memory_space<semaphore_mem>>)
      %dma_wait3A = arith.constant 0 : i32
      %dma_wait3A_42 = tpu.memref_slice %arg6[%add3A_36, %dma_wait3A] : memref<40x250xi32, #tpu.memory_space<vmem>> -> memref<1x250xi32, #tpu.memory_space<vmem>>
      %dma_wait3A_43 = tpu.memref_squeeze %dma_wait3A_42 : memref<1x250xi32, #tpu.memory_space<vmem>> -> memref<250xi32, #tpu.memory_space<vmem>>
      %dma_wait3A_44 = arith.constant 0 : i32
      %dma_wait3A_45 = arith.constant 0 : i32
      %dma_wait3A_46 = tpu.memref_slice %arg4[%dma_wait3A_44, %dma_wait3A_45] : memref<10000x128xf32, #tpu.memory_space<hbm>> -> memref<10000x128xf32, #tpu.memory_space<hbm>>
      tpu.wait_indirect_dma semaphore(%arg10 : memref<!tpu.dma_semaphore, #tpu.memory_space<semaphore_mem>>) src(%dma_wait3A_46 : memref<10000x128xf32, #tpu.memory_space<hbm>>) dst(%arg8 : memref<250x128xf32, #tpu.memory_space<vmem>>)
      "tpu.region"() ({
        %run_scoped3A = tpu.sem_alloc : memref<!tpu.dma_semaphore, #tpu.memory_space<semaphore_mem>>
        %dma_start3A_48 = arith.constant 0 : i32
        %dma_start3A_49 = tpu.memref_slice %arg7[%scan3A_33, %dma_start3A_48] : memref<20x250xi32, #tpu.memory_space<vmem>> -> memref<1x250xi32, #tpu.memory_space<vmem>>
        %dma_start3A_50 = tpu.memref_squeeze %dma_start3A_49 : memref<1x250xi32, #tpu.memory_space<vmem>> -> memref<250xi32, #tpu.memory_space<vmem>>
        %dma_start3A_51 = arith.constant 0 : i32
        %dma_start3A_52 = arith.constant 0 : i32
        %dma_start3A_53 = tpu.memref_slice %arg9[%dma_start3A_51, %dma_start3A_52] : memref<10000x128xf32, #tpu.memory_space<vmem_shared>> -> memref<10000x128xf32, #tpu.memory_space<vmem_shared>>
        tpu.enqueue_indirect_dma source(%arg8 : memref<250x128xf32, #tpu.memory_space<vmem>>) target(%dma_start3A_53 : memref<10000x128xf32, #tpu.memory_space<vmem_shared>>) offsets(%dma_start3A_50 : memref<250xi32, #tpu.memory_space<vmem>>) semaphore(%run_scoped3A : memref<!tpu.dma_semaphore, #tpu.memory_space<semaphore_mem>>) {add = true}
        %dma_wait3A_54 = arith.constant 0 : i32
        %dma_wait3A_55 = tpu.memref_slice %arg7[%scan3A_33, %dma_wait3A_54] : memref<20x250xi32, #tpu.memory_space<vmem>> -> memref<1x250xi32, #tpu.memory_space<vmem>>
        %dma_wait3A_56 = tpu.memref_squeeze %dma_wait3A_55 : memref<1x250xi32, #tpu.memory_space<vmem>> -> memref<250xi32, #tpu.memory_space<vmem>>
        %dma_wait3A_57 = arith.constant 0 : i32
        %dma_wait3A_58 = arith.constant 0 : i32
        %dma_wait3A_59 = tpu.memref_slice %arg9[%dma_wait3A_57, %dma_wait3A_58] : memref<10000x128xf32, #tpu.memory_space<vmem_shared>> -> memref<10000x128xf32, #tpu.memory_space<vmem_shared>>
        tpu.wait_indirect_dma semaphore(%run_scoped3A : memref<!tpu.dma_semaphore, #tpu.memory_space<semaphore_mem>>) src(%arg8 : memref<250x128xf32, #tpu.memory_space<vmem>>) dst(%dma_wait3A_59 : memref<10000x128xf32, #tpu.memory_space<vmem_shared>>)
        tpu.yield
      }) : () -> ()
      %scan3A_47 = arith.constant 0 : i32
      scf.yield %scan3A_47 : i32
    }
    %scan3A_29 = arith.constant 20 : i32
    %barrier3A_30 = arith.constant 0 : index
    tpu.barrier barrier_id(%barrier3A_30)
    %mul3A_31 = arith.constant 625 : i32
    %mul3A_32 = arith.muli %arg1, %mul3A_31 : i32
    "tpu.region"() ({
      %run_scoped3A = tpu.sem_alloc : memref<!tpu.dma_semaphore, #tpu.memory_space<semaphore_mem>>
      %dma_start3A = arith.constant 0 : i32
      %dma_start3A_33 = arith.constant 0 : i32
      %dma_start3A_34 = tpu.memref_slice %arg5[%arg0, %arg1, %dma_start3A, %dma_start3A_33] : memref<2x16x625x128xf32, #tpu.memory_space<hbm>> -> memref<1x1x625x128xf32, #tpu.memory_space<hbm>>
      %dma_start3A_35 = tpu.memref_squeeze %dma_start3A_34 : memref<1x1x625x128xf32, #tpu.memory_space<hbm>> -> memref<625x128xf32, #tpu.memory_space<hbm>>
      %dma_start3A_36 = arith.constant 0 : i32
      %dma_start3A_37 = tpu.memref_slice %arg9[%mul3A_32, %dma_start3A_36] : memref<10000x128xf32, #tpu.memory_space<vmem_shared>> -> memref<625x128xf32, #tpu.memory_space<vmem_shared>>
      tpu.enqueue_dma source(%dma_start3A_37 : memref<625x128xf32, #tpu.memory_space<vmem_shared>>) target(%dma_start3A_35 : memref<625x128xf32, #tpu.memory_space<hbm>>) target_semaphore(%run_scoped3A : memref<!tpu.dma_semaphore, #tpu.memory_space<semaphore_mem>>)
      %dma_wait3A = arith.constant 0 : i32
      %dma_wait3A_38 = arith.constant 0 : i32
      %dma_wait3A_39 = tpu.memref_slice %arg5[%arg0, %arg1, %dma_wait3A, %dma_wait3A_38] : memref<2x16x625x128xf32, #tpu.memory_space<hbm>> -> memref<1x1x625x128xf32, #tpu.memory_space<hbm>>
      %dma_wait3A_40 = tpu.memref_squeeze %dma_wait3A_39 : memref<1x1x625x128xf32, #tpu.memory_space<hbm>> -> memref<625x128xf32, #tpu.memory_space<hbm>>
      %dma_wait3A_41 = arith.constant 0 : i32
      %dma_wait3A_42 = tpu.memref_slice %arg9[%mul3A_32, %dma_wait3A_41] : memref<10000x128xf32, #tpu.memory_space<vmem_shared>> -> memref<625x128xf32, #tpu.memory_space<vmem_shared>>
      tpu.wait_dma2 semaphore(%run_scoped3A : memref<!tpu.dma_semaphore, #tpu.memory_space<semaphore_mem>>) src(%dma_wait3A_42 : memref<625x128xf32, #tpu.memory_space<vmem_shared>>) dst(%dma_wait3A_40 : memref<625x128xf32, #tpu.memory_space<hbm>>)
      tpu.yield
    }) : () -> ()
    return
  }
}

module attributes {stable_mosaic.version = 14 : i64} {
  func.func @_tc_matmul_body(%arg0: i32, %arg1: memref<5000x128xf32, #tpu.memory_space<vmem>>, %arg2: memref<128x128xf32, #tpu.memory_space<vmem>>, %arg3: memref<5000x128xf32, #tpu.memory_space<vmem>>) attributes {dimension_semantics = [#tpu.dimension_semantics<arbitrary>], iteration_bounds = array<i64: 2>, scalar_prefetch = 0 : i64, scratch_operands = 0 : i64, tpu.core_type = #tpu.core_type<tc>, window_params = [{transform_indices = @transform_0, window_bounds = array<i64: 5000, 128>}, {pipeline_mode = #tpu.pipeline_mode<synchronous>, transform_indices = @transform_1, window_bounds = array<i64: 128, 128>}, {transform_indices = @transform_2, window_bounds = array<i64: 5000, 128>}]} {
    %get3A = arith.constant 0 : index
    %get3A_0 = arith.constant 0 : index
    %get3A_1 = vector.load %arg1[%get3A, %get3A_0] : memref<5000x128xf32, #tpu.memory_space<vmem>>, vector<5000x128xf32>
    %get3A_2 = arith.constant 0 : index
    %get3A_3 = arith.constant 0 : index
    %get3A_4 = vector.load %arg2[%get3A_2, %get3A_3] : memref<128x128xf32, #tpu.memory_space<vmem>>, vector<128x128xf32>
    %dot_general3A = arith.constant dense<0.000000e+00> : vector<5000x128xf32>
    %dot_general3A_5 = tpu.matmul %get3A_1, %get3A_4, %dot_general3A {dimension_numbers = #tpu.dot_dimension_numbers<[1], [0], [0], [1], [0, 0, 1, 1], [], []>, transpose_lhs_hint = false} : vector<5000x128xf32>, vector<128x128xf32>, vector<5000x128xf32> -> vector<5000x128xf32>
    %swap3A = arith.constant 0 : index
    %swap3A_6 = arith.constant 0 : index
    %swap3A_7 = vector.load %arg3[%swap3A, %swap3A_6] : memref<5000x128xf32, #tpu.memory_space<vmem>>, vector<5000x128xf32>
    tpu.vector_store %arg3[%swap3A, %swap3A_6], %dot_general3A_5 {strides = array<i32>} : memref<5000x128xf32, #tpu.memory_space<vmem>>, vector<5000x128xf32>,
    return
  }
  func.func @transform_0(%arg0: i32) -> (i32, i32) {
    %c0_i32 = arith.constant 0 : i32
    %c0_i32_0 = arith.constant 0 : i32
    return %arg0, %c0_i32 : i32, i32
  }
  func.func @transform_1(%arg0: i32) -> (i32, i32) {
    %c0_i32 = arith.constant 0 : i32
    %c0_i32_0 = arith.constant 0 : i32
    %c0_i32_1 = arith.constant 0 : i32
    return %c0_i32, %c0_i32_0 : i32, i32
  }
  func.func @transform_2(%arg0: i32) -> (i32, i32) {
    %c0_i32 = arith.constant 0 : i32
    %c0_i32_0 = arith.constant 0 : i32
    return %arg0, %c0_i32 : i32, i32
  }
}

module attributes {stable_mosaic.version = 14 : i64} {
  func.func @_tc_scale_body(%arg0: i32, %arg1: memref<2x5000x16xf32, #tpu.memory_space<vmem>>, %arg2: memref<5000x128xf32, #tpu.memory_space<vmem>>, %arg3: memref<5000x128xf32, #tpu.memory_space<vmem>>, %arg4: memref<5000x1xf32, #tpu.memory_space<vmem>>) attributes {dimension_semantics = [#tpu.dimension_semantics<arbitrary>], iteration_bounds = array<i64: 2>, scalar_prefetch = 0 : i64, scratch_operands = 0 : i64, tpu.core_type = #tpu.core_type<tc>, window_params = [{transform_indices = @transform_0, window_bounds = array<i64: 2, 5000, 16>}, {transform_indices = @transform_1, window_bounds = array<i64: 5000, 128>}, {transform_indices = @transform_2, window_bounds = array<i64: 5000, 128>}, {transform_indices = @transform_3, window_bounds = array<i64: 5000, 1>}]} {
    %get3A = arith.constant 0 : index
    %get3A_0 = arith.constant 0 : index
    %get3A_1 = arith.constant 0 : index
    %get3A_2 = vector.load %arg1[%get3A, %get3A_0, %get3A_1] : memref<2x5000x16xf32, #tpu.memory_space<vmem>>, vector<1x5000x1xf32>
    %get3A_3 = vector.shape_cast %get3A_2 : vector<1x5000x1xf32> to vector<5000xf32>
    %get3A_4 = arith.constant 1 : index
    %get3A_5 = arith.constant 0 : index
    %get3A_6 = arith.constant 0 : index
    %get3A_7 = vector.load %arg1[%get3A_4, %get3A_5, %get3A_6] : memref<2x5000x16xf32, #tpu.memory_space<vmem>>, vector<1x5000x1xf32>
    %get3A_8 = vector.shape_cast %get3A_7 : vector<1x5000x1xf32> to vector<5000xf32>
    %add3A = arith.addf %get3A_3, %get3A_8 : vector<5000xf32>
    %add3A_9 = arith.constant 1.000000e+00 : f32
    %add3A_10 = vector.broadcast %add3A_9 : f32 to vector<5000xf32>
    %add3A_11 = arith.addf %add3A, %add3A_10 : vector<5000xf32>
    %rsqrt3A = math.rsqrt %add3A_11 : vector<5000xf32>
    %get3A_12 = arith.constant 0 : index
    %get3A_13 = arith.constant 0 : index
    %get3A_14 = vector.load %arg2[%get3A_12, %get3A_13] : memref<5000x128xf32, #tpu.memory_space<vmem>>, vector<5000x128xf32>
    %broadcast_in_dim3A = vector.shape_cast %rsqrt3A : vector<5000xf32> to vector<5000x1xf32>
    %mul3A = vector.broadcast %broadcast_in_dim3A : vector<5000x1xf32> to vector<5000x128xf32>
    %mul3A_15 = arith.mulf %get3A_14, %mul3A : vector<5000x128xf32>
    %swap3A = arith.constant 0 : index
    %swap3A_16 = arith.constant 0 : index
    %swap3A_17 = vector.load %arg3[%swap3A, %swap3A_16] : memref<5000x128xf32, #tpu.memory_space<vmem>>, vector<5000x128xf32>
    tpu.vector_store %arg3[%swap3A, %swap3A_16], %mul3A_15 {strides = array<i32>} : memref<5000x128xf32, #tpu.memory_space<vmem>>, vector<5000x128xf32>,
    %broadcast_in_dim3A_18 = vector.shape_cast %rsqrt3A : vector<5000xf32> to vector<5000x1xf32>
    %swap3A_19 = arith.constant 0 : index
    %swap3A_20 = arith.constant 0 : index
    %swap3A_21 = vector.load %arg4[%swap3A_19, %swap3A_20] : memref<5000x1xf32, #tpu.memory_space<vmem>>, vector<5000x1xf32>
    tpu.vector_store %arg4[%swap3A_19, %swap3A_20], %broadcast_in_dim3A_18 {strides = array<i32>} : memref<5000x1xf32, #tpu.memory_space<vmem>>, vector<5000x1xf32>,
    return
  }
  func.func @transform_0(%arg0: i32) -> (i32, i32, i32) {
    %c0_i32 = arith.constant 0 : i32
    %c0_i32_0 = arith.constant 0 : i32
    %c0_i32_1 = arith.constant 0 : i32
    return %c0_i32, %arg0, %c0_i32_0 : i32, i32, i32
  }
  func.func @transform_1(%arg0: i32) -> (i32, i32) {
    %c0_i32 = arith.constant 0 : i32
    %c0_i32_0 = arith.constant 0 : i32
    return %arg0, %c0_i32 : i32, i32
  }
  func.func @transform_2(%arg0: i32) -> (i32, i32) {
    %c0_i32 = arith.constant 0 : i32
    %c0_i32_0 = arith.constant 0 : i32
    return %arg0, %c0_i32 : i32, i32
  }
  func.func @transform_3(%arg0: i32) -> (i32, i32) {
    %c0_i32 = arith.constant 0 : i32
    %c0_i32_0 = arith.constant 0 : i32
    return %arg0, %c0_i32 : i32, i32
  }
}

module attributes {stable_mosaic.version = 14 : i64} {
  func.func @_tc_final_body(%arg0: i32, %arg1: memref<2x5000x128xf32, #tpu.memory_space<vmem>>, %arg2: memref<5000x128xf32, #tpu.memory_space<vmem>>, %arg3: memref<5000x1xf32, #tpu.memory_space<vmem>>, %arg4: memref<1x128xf32, #tpu.memory_space<vmem>>, %arg5: memref<5000x128xf32, #tpu.memory_space<vmem>>) attributes {dimension_semantics = [#tpu.dimension_semantics<arbitrary>], iteration_bounds = array<i64: 2>, scalar_prefetch = 0 : i64, scratch_operands = 0 : i64, tpu.core_type = #tpu.core_type<tc>, window_params = [{transform_indices = @transform_0, window_bounds = array<i64: 2, 5000, 128>}, {transform_indices = @transform_1, window_bounds = array<i64: 5000, 128>}, {transform_indices = @transform_2, window_bounds = array<i64: 5000, 1>}, {pipeline_mode = #tpu.pipeline_mode<synchronous>, transform_indices = @transform_3, window_bounds = array<i64: 1, 128>}, {transform_indices = @transform_4, window_bounds = array<i64: 5000, 128>}]} {
    %get3A = arith.constant 0 : index
    %get3A_0 = arith.constant 0 : index
    %get3A_1 = arith.constant 0 : index
    %get3A_2 = vector.load %arg1[%get3A, %get3A_0, %get3A_1] : memref<2x5000x128xf32, #tpu.memory_space<vmem>>, vector<1x5000x128xf32>
    %get3A_3 = vector.shape_cast %get3A_2 : vector<1x5000x128xf32> to vector<5000x128xf32>
    %get3A_4 = arith.constant 1 : index
    %get3A_5 = arith.constant 0 : index
    %get3A_6 = arith.constant 0 : index
    %get3A_7 = vector.load %arg1[%get3A_4, %get3A_5, %get3A_6] : memref<2x5000x128xf32, #tpu.memory_space<vmem>>, vector<1x5000x128xf32>
    %get3A_8 = vector.shape_cast %get3A_7 : vector<1x5000x128xf32> to vector<5000x128xf32>
    %add3A = arith.addf %get3A_3, %get3A_8 : vector<5000x128xf32>
    %get3A_9 = arith.constant 0 : index
    %get3A_10 = arith.constant 0 : index
    %get3A_11 = vector.load %arg2[%get3A_9, %get3A_10] : memref<5000x128xf32, #tpu.memory_space<vmem>>, vector<5000x128xf32>
    %add3A_12 = arith.addf %add3A, %get3A_11 : vector<5000x128xf32>
    %get3A_13 = arith.constant 0 : index
    %get3A_14 = arith.constant 0 : index
    %get3A_15 = vector.load %arg3[%get3A_13, %get3A_14] : memref<5000x1xf32, #tpu.memory_space<vmem>>, vector<5000x1xf32>
    %mul3A = vector.broadcast %get3A_15 : vector<5000x1xf32> to vector<5000x128xf32>
    %mul3A_16 = arith.mulf %add3A_12, %mul3A : vector<5000x128xf32>
    %get3A_17 = arith.constant 0 : index
    %get3A_18 = arith.constant 0 : index
    %get3A_19 = vector.load %arg4[%get3A_17, %get3A_18] : memref<1x128xf32, #tpu.memory_space<vmem>>, vector<1x128xf32>
    %add3A_20 = vector.broadcast %get3A_19 : vector<1x128xf32> to vector<5000x128xf32>
    %add3A_21 = arith.addf %mul3A_16, %add3A_20 : vector<5000x128xf32>
    %max3A = arith.constant 0.000000e+00 : f32
    %max3A_22 = vector.broadcast %max3A : f32 to vector<5000x128xf32>
    %max3A_23 = arith.maximumf %add3A_21, %max3A_22 : vector<5000x128xf32>
    %swap3A = arith.constant 0 : index
    %swap3A_24 = arith.constant 0 : index
    %swap3A_25 = vector.load %arg5[%swap3A, %swap3A_24] : memref<5000x128xf32, #tpu.memory_space<vmem>>, vector<5000x128xf32>
    tpu.vector_store %arg5[%swap3A, %swap3A_24], %max3A_23 {strides = array<i32>} : memref<5000x128xf32, #tpu.memory_space<vmem>>, vector<5000x128xf32>,
    return
  }
  func.func @transform_0(%arg0: i32) -> (i32, i32, i32) {
    %c0_i32 = arith.constant 0 : i32
    %c0_i32_0 = arith.constant 0 : i32
    %c0_i32_1 = arith.constant 0 : i32
    return %c0_i32, %arg0, %c0_i32_0 : i32, i32, i32
  }
  func.func @transform_1(%arg0: i32) -> (i32, i32) {
    %c0_i32 = arith.constant 0 : i32
    %c0_i32_0 = arith.constant 0 : i32
    return %arg0, %c0_i32 : i32, i32
  }
  func.func @transform_2(%arg0: i32) -> (i32, i32) {
    %c0_i32 = arith.constant 0 : i32
    %c0_i32_0 = arith.constant 0 : i32
    return %arg0, %c0_i32 : i32, i32
  }
  func.func @transform_3(%arg0: i32) -> (i32, i32) {
    %c0_i32 = arith.constant 0 : i32
    %c0_i32_0 = arith.constant 0 : i32
    %c0_i32_1 = arith.constant 0 : i32
    return %c0_i32, %c0_i32_0 : i32, i32
  }
  func.func @transform_4(%arg0: i32) -> (i32, i32) {
    %c0_i32 = arith.constant 0 : i32
    %c0_i32_0 = arith.constant 0 : i32
    return %arg0, %c0_i32 : i32, i32
  }
}

</mosaic_0001>

<sc_bundles>
// kernel: kernel.10.cloned.1.call-start
scs
__scs_entry_jumppad:
0x0: {  	(pc) =	sbr.rel $0x88, $3  }
0x1: {  	(tag) =	ssettag $0x0;
	lr =	simm.s32 $0x1  }
0x2: {  	[smem:$0x3F9D] =	sst lr;
	_ =	strace $0xD0000000  }
0x3: {  	_ = 	snop  }
0x4: {  	_ = 	snop  }
0x5: {  	_ = 	snop  }
0x6: {  	_ = 	snop  }
0x7: {  	_ = 	snop  }
__scs_overlays_trampoline_lowered:
0x8: {  	[smem:$0x3FAC] =	sst s0  }
0x9: {  	[smem:$0x3FAD] =	sst s1  }
0xa: {  	[smem:$0x3FAE] =	sst s2  }
0xb: {  	[smem:$0x3FAF] =	sst s3  }
0xc: {  	[smem:$0x3FB0] =	sst s4  }
0xd: {  	[smem:$0x3FB1] =	sst s5  }
0xe: {  	[smem:$0x3FB2] =	sst s6  }
0xf: {  	[smem:$0x3FB3] =	sst s7  }
0x10: {  	[smem:$0x3FB4] =	sst s8  }
0x11: {  	[smem:$0x3FB5] =	sst s9;
	s0 =	simm.s32 @!p0 $0x0  }
0x12: {  	s1 =	sld [smem:$0x3F9B];
	s0 =	simm.s32 @p0 $0x1  }
0x13: {  	[smem:$0x3FB6] =	sst s0;
	s0 =	simm.s32 @!p1 $0x0  }
0x14: {  	s2 =	sld [smem:$0x3F9A];
	s0 =	simm.s32 @p1 $0x1  }
0x15: {  	[smem:$0x3FB7] =	sst s0;
	s0 =	simm.s32 @!p2 $0x0  }
0x16: {  	s3 =	sld [smem:$0x3FDB];
	s0 =	simm.s32 @p2 $0x1  }
0x17: {  	s4 =	simm.s32 $0x1BF5;
	[smem:$0x3FB9] =	sst s0  }
0x18: {  	s0 =	sld [smem:$0x3F9C];
	_ =	swait.ge [sflag:s4], $0x0  }
0x19: {  	s7 =	sld [smem:$0x3F9D]  }
0x1a: {  	s8 =	sadd.s32 $0xFFFFE003, lr  }
0x1b: {  	s9 =	sadd.s32 $0xFFFFFEF7, lr;
	s5 =	simm.s32 $0xFFFFFFFF;
	p2 =	slt.u32 s8, $0xFFFFF086  }
0x1c: {  	p1 =	slt.u32 s9, $0xF7A;
	s5 =	simm.s32 @!p2 $0x0  }
0x1d: {  	s5 =	simm.s32 @p1 $0x1;
	p0 =	seq.s32 s7, s2  }
0x1e: {  	s7 =	smul.u32 @!p0 $0xF7A, s2;
	p2 =	seq.s32 @!p0 s5, $0x0  }
0x1f: {  	s9 =	smul.u32 $0xF7A, s1;
	s8 =	simm.s32 @!p0 $0x1BF5;
	p2 =	por !p2, p0  }
0x20: {  	[sflag:s8] =	ssyncset.s32 @!p0 $0xFFFFF086;
	s6 =	sadd.s32 @!p0 s3, s7;
	s7 =	simm.s32 @!p0 $0x108  }
0x21: {  	s3 =	sadd.s32 s3, s9;
	s6 =	sadd.s32 @!p0 $0x88, s6;
	s7 =	simm.s32 @p2 $0x1082  }
0x22: {  	[simem:s7], [sflag:s8] =	dma.local @!p0 [hbm:s6], $0xF7A  }
0x23: {  	s9 =	sor.u32 $0xD0000000, s2;
	s6 =	simm.s32 $0x108;
	_ =	swait.ge @!p0 [sflag:s8], $0x0  }
0x24: {  	s3 =	sadd.s32 $0x88, s3;
	s6 =	simm.s32 @!p1 $0x1082;
	[sflag:s4] =	ssyncset.s32 $0xFFFFF086  }
0x25: {  	[simem:s6], [sflag:s4] =	dma.local [hbm:s3], $0xF7A  }
0x26: {  	[smem:$0x3F9D] =	sst s1;
	(tag) =	ssettag s2;
	_ =	strace s9  }
0x27: {  	s1 =	sld [smem:$0x3FAD]  }
0x28: {  	s2 =	sld [smem:$0x3FAE]  }
0x29: {  	s4 =	sld [smem:$0x3FB0]  }
0x2a: {  	p0 =	seq.s32 s5, $0x0;
	s5 =	sld [smem:$0x3FB1]  }
0x2b: {  	s6 =	sld [smem:$0x3FB2]  }
0x2c: {  	s7 =	sld [smem:$0x3FB3]  }
0x2d: {  	s3 =	simm.s32 $0x108;
	s8 =	sld [smem:$0x3FB4]  }
0x2e: {  	s3 =	simm.s32 @!p0 $0x1082;
	s9 =	sld [smem:$0x3FB5]  }
0x2f: {  	lr =	sadd.s32 s0, s3;
	s0 =	sld [smem:$0x3FAC]  }
0x30: {  	s3 =	sld [smem:$0x3FAF]  }
0x31: {  	[smem:$0x3FB8] =	sst s10  }
0x32: {  	s10 =	sld [smem:$0x3FB6];
	_ =	sdelay $0x3  }
0x33: {  	p0 =	seq.s32 s10, $0x1;
	s10 =	sld [smem:$0x3FB8];
	_ =	sdelay $0x3  }
0x34: {  	[smem:$0x3FB8] =	sst s10  }
0x35: {  	s10 =	sld [smem:$0x3FB7];
	_ =	sdelay $0x3  }
0x36: {  	p1 =	seq.s32 s10, $0x1;
	s10 =	sld [smem:$0x3FB8];
	_ =	sdelay $0x3  }
0x37: {  	[smem:$0x3FB8] =	sst s10  }
0x38: {  	s10 =	sld [smem:$0x3FB9]  }
0x39: {  	_ = 	snop;
	(pc) =	sbr.ind lr, $3  }
0x3a: {  	_ = 	snop  }
0x3b: {  	_ = 	snop  }
0x3c: {  	p2 =	seq.s32 s10, $0x1;
	s10 =	sld [smem:$0x3FB8]  }
0x3d: {  	_ =	shalt  }
0x3e: {  	_ =	shalt  }
0x3f: {  	_ =	shalt  }
0x40: {  	_ =	shalt  }
0x41: {  	_ =	shalt  }
0x42: {  	_ =	shalt  }
0x43: {  	_ =	shalt  }
0x44: {  	_ =	shalt  }
0x45: {  	_ =	shalt  }
0x46: {  	_ =	shalt  }
0x47: {  	_ =	shalt  }
0x48: {  	_ =	shalt  }
0x49: {  	_ =	shalt  }
0x4a: {  	_ =	shalt  }
0x4b: {  	_ =	shalt  }
0x4c: {  	_ =	shalt  }
0x4d: {  	_ =	shalt  }
0x4e: {  	_ =	shalt  }
0x4f: {  	_ =	shalt  }
0x50: {  	_ =	shalt  }
0x51: {  	_ =	shalt  }
0x52: {  	_ =	shalt  }
0x53: {  	_ =	shalt  }
0x54: {  	_ =	shalt  }
0x55: {  	_ =	shalt  }
0x56: {  	_ =	shalt  }
0x57: {  	_ =	shalt  }
0x58: {  	_ =	shalt  }
0x59: {  	_ =	shalt  }
0x5a: {  	_ =	shalt  }
0x5b: {  	_ =	shalt  }
0x5c: {  	_ =	shalt  }
0x5d: {  	_ =	shalt  }
0x5e: {  	_ =	shalt  }
0x5f: {  	_ =	shalt  }
0x60: {  	_ =	shalt  }
0x61: {  	_ =	shalt  }
0x62: {  	_ =	shalt  }
0x63: {  	_ =	shalt  }
0x64: {  	_ =	shalt  }
0x65: {  	_ =	shalt  }
0x66: {  	_ =	shalt  }
0x67: {  	_ =	shalt  }
0x68: {  	_ =	shalt  }
0x69: {  	_ =	shalt  }
0x6a: {  	_ =	shalt  }
0x6b: {  	_ =	shalt  }
0x6c: {  	_ =	shalt  }
0x6d: {  	_ =	shalt  }
0x6e: {  	_ =	shalt  }
0x6f: {  	_ =	shalt  }
0x70: {  	_ =	shalt  }
0x71: {  	_ =	shalt  }
0x72: {  	_ =	shalt  }
0x73: {  	_ =	shalt  }
0x74: {  	_ =	shalt  }
0x75: {  	_ =	shalt  }
0x76: {  	_ =	shalt  }
0x77: {  	_ =	shalt  }
0x78: {  	_ =	shalt  }
0x79: {  	_ =	shalt  }
0x7a: {  	_ =	shalt  }
0x7b: {  	_ =	shalt  }
0x7c: {  	_ =	shalt  }
0x7d: {  	_ =	shalt  }
0x7e: {  	_ =	shalt  }
0x7f: {  	_ =	shalt  }
0x80: {  	_ =	shalt  }
0x81: {  	_ =	shalt  }
0x82: {  	_ =	shalt  }
0x83: {  	_ =	shalt  }
0x84: {  	_ =	shalt  }
0x85: {  	_ =	shalt  }
0x86: {  	_ =	shalt  }
0x87: {  	_ =	shalt  }
.Lfunc_end0:
.L_simem_size_0:
called_computation.1_lowered:
.L_overlay_start_0:
0x88: {  	s2 =	sld [smem:$0x3FD9]  }
0x89: {  	s3 =	sld [smem:$0x3FFE];
	_ =	sdelay $0x1  }
0x8a: {  	s1 =	srdreg.scid  }
0x8b: {  	s0 =	sand.u32 $0x1, s1  }
0x8c: {  	s17 =	sshll.u32 s0, $0xA;
	s2 =	sadd.s32 s3, s2  }
0x8d: {  	s2 =	sadd.s32 s2, s17  }
0x8e: {  	[smem:$0x3FC4] =	sst s2  }
0x8f: {  	_ = 	snop  }
0x90: {  	s2 =	sld [smem:$0x3FD0];
	(tm) =	ssettm $0x1  }
0x91: {  	s18 =	sld [smem:$0x3FFB];
	_ =	sdelay $0x3  }
0x92: {  	_ =	strace s18  }
0x93: {  	s3 =	sld [smem:$0x3FFC];
	_ =	sdelay $0x3  }
0x94: {  	_ =	strace s3  }
0x95: {  	s3 =	sld [smem:$0x3FFD];
	_ =	sdelay $0x3  }
0x96: {  	_ =	strace s3  }
0x97: {  	_ =	strace $0x8FFFFFFF  }
0x98: {  	s19 =	sld [smem:$0x3FDB];
	_ =	sdelay $0x1  }
0x99: {  	s4 =	simm.s32 $_scs_section_size  }
0x9a: {  	s5 =	simm.s32 $_size__tile_overlayer_lowered;
	s6 =	simm.s32 $_tile_overlayer_lowered  }
0x9b: {  	s22 =	simm.s32 $0x1BFF;
	s21 =	sshll.u32 s6, $0x1;
	s3 =	sadd.s32 s4, s19  }
0x9c: {  	s7 =	simm.s32 $0x0;
	s20 =	sshll.u32 s5, $0x1;
	s5 =	sadd.s32 s21, s3  }
0x9d: {  	[timem:s7], [sflag:s22] =	dma.local [hbm:s5], s20  }
0x9e: {  	_ =	swait.ge [sflag:s22], s20  }
0x9f: {  	s4 =	ssub.s32 $0x0, s20;
	[sflag:s22] =	ssyncset.done $0x0  }
0xa0: {  	[sflag:s22] =	ssyncadd.s32 s4;
	_ =	sdelay $0x1  }
0xa1: {  	s23 =	simm.s32 $0x1B8B  }
0xa2: {  	_ =	swait.ge [sflag:s23], $0x1  }
0xa3: {  	[sflag:s23] =	ssyncset.done $0x0  }
0xa4: {  	s25 =	simm.s32 $0x1B8E;
	s24 =	sld [smem:$0x3FFE];
	[sflag:s23] =	ssyncadd.s32 $0xFFFFFFFF  }
0xa5: {  	s26 =	simm.s32 $execute0_lowered;
	[smem:$0x3FD2] =	sst s25  }
0xa6: {  	s5 =	sshll.u32 s26, $0x1;
	_ =	strace $0x80000049;
	[dreg:$0x1] =	wrdreg $0xFFFFFFFF  }
0xa7: {  	s28 =	simm.s32 $_size_execute0_lowered;
	s3 =	sadd.s32 s3, s5;
	[dreg:$0x0] =	wrdreg $0x0  }
0xa8: {  	s5 =	sshll.u32 s28, $0x1;
	[dreg:$0x2] =	wrdreg s3  }
0xa9: {  	[dreg:$0x3] =	wrdreg s5  }
0xaa: {  	[dreg:$0x4] =	wrdreg $0xC0  }
0xab: {  	_ =	task [dreg:s7], $0x5FFFF  }
0xac: {  	[dreg:$0x1] =	wrdreg $0xFFFFFFFF  }
0xad: {  	[dreg:$0x0] =	wrdreg $0x60  }
0xae: {  	[dreg:$0x2] =	wrdreg s24  }
0xaf: {  	[dreg:$0x3] =	wrdreg s2  }
0xb0: {  	[dreg:$0x4] =	wrdreg $0xB9000  }
0xb1: {  	[dreg:$0x5] =	wrdreg $0x9  }
0xb2: {  	_ =	task.clear_ibuf [dreg:s7], $0x6FFFF;
	_ =	strace $0x90000049  }
0xb3: {  	s29 =	simm.s32 $0x9;
	_ =	strace $0x8000004B  }
0xb4: {  	_ =	swait.ge [sflag:s29], $0x1  }
0xb5: {  	[sflag:s29] =	ssyncadd.s32 $0xFFFFFFFF  }
0xb6: {  	_ =	strace $0x9000004B  }
0xb7: {  	_ =	sfence  }
0xb8: {  	s30 =	sld [smem:$0x0];
	_ =	sdelay $0x2  }
0xb9: {  	s31 =	sshll.u32 s1, $0xD;
	s1 =	sshrl.u32 s1, $0x2  }
0xba: {  	s3 =	sand.u32 $0x4000, s31;
	s1 =	sadd.s32 s1, s30  }
0xbb: {  	s0 =	sor.u32 s3, s0;
	s1 =	sshll.u32 s1, $0x11  }
0xbc: {  	s0 =	sor.u32 s1, s0  }
0xbd: {  	s0 =	sadd.s32 $0x8F2B, s0  }
0xbe: {  	[sflag:s0] =	ssyncadd.remote.s32 $0x1  }
0xbf: {  	_ =	sfence.sel $0xFFFF  }
0xc0: {  	[dreg:$0x0] =	wrdreg $0xFFFFFFFF;
	(pc) =	sbr.abs _section_cstart, $3  }
0xc1: {  	[dreg:$0x1] =	wrdreg $0xFFFFFFFF  }
0xc2: {  	_ =	task.clear_ibuf [dreg:s7], $0x2FFFF;
	_ =	strace $0x9FFFFFFF  }
0xc3: {  	(tm) =	ssettm $0x7FFFFFFF  }
tec
execute0_lowered:
.L_overlay_start_1:
0x0: {  	(tag) =	ssettag $0x1  }
0x1: {  	s5 =	rddreg [dreg:$0x0]  }
0x2: {  	s2 =	rddreg [dreg:$0x1]  }
0x3: {  	s0 =	srdreg.scid;
	s3 =	rddreg [dreg:$0x2]  }
0x4: {  	s1 =	rddreg [dreg:$0x3];
	s6 =	sand.u32 $0x1, s0  }
0x5: {  	s0 =	stileid.u32;
	s7 =	smul.u32 $0x28000, s6  }
0x6: {  	s4 =	simm.s32 $0x0;
	s14 =	simm.s32 $0x2;
	s8 =	smul.u32 $0x2800, s0  }
0x7: {  	s15 =	simm.s32 $0x2800;
	s16 =	simm.s32 $0xFA;
	s9 =	smul.u32 $0x138800, s6  }
0x8: {  	s17 =	simm.s32 $0x1;
	[smem:$0x7FF] =	sst s4;
	s28 =	smul.u32 $0x13880, s0  }
0x9: {  	_ =	strace $0x8000004A;
	s10 =	smul.u32 $0x4E200, s0;
	s6 =	ssub.s32 $0x2, s6  }
0xa: {  	s18 =	sshll.u32 s0, $0x6;
	s30 =	sshrl.u32 s6, $0x1;
	s7 =	sadd.s32 s8, s7  }
0xb: {  	s18 =	sor.u32 $0x1C02, s18;
	s29 =	sadd.s32 s28, s9;
	s7 =	sshrl.u32 s7, $0x3  }
0xc: {  	s31 =	sshrl.u32 s10, $0x2;
	s11 =	sadd.s32 s7, s5;
	s7 =	sshrl.u32 s29, $0x3  }
0xd: {  	s13 =	ssub.s32 s6, s30;
	s12 =	sadd.s32 s7, s5;
	s5 =	sadd.s32 s31, s3  }
0xe: {  	s8 =	sadd.s32 $0xBC00, s11;
	s9 =	sadd.s32 $0x1A00, s11;
	s10 =	sadd.s32 $0x1C80, s11  }
0xf: {  	s6 =	sadd.s32 $0x7D00, s5;
	s7 =	sadd.s32 $0xFA00, s5;
	s11 =	sadd.s32 $0x15C00, s12  }
0x10: {  	v0 =	vimm.f32 $0.0e+00;
	s12 =	smax.u32 s13, $0x1;
	s13 =	simm.s32 $0x3C00;
	s19 =	sshrl.u32 s5, $0x3  }
.LBB2_1:
0x11: {  	s20 =	simm.s32 $0x0;
	s21 =	simm.s32 $0x200  }
.LBB2_2:
0x12: {  	p0 =	sne.s32 s21, $0x1F200;
	[tilespmem:s20+$0x3C70] =	vst v0  }
0x13: {  	[tilespmem:s20+$0x3C00] =	vst v0  }
0x14: {  	[tilespmem:s20+$0x3C10] =	vst v0  }
.Ltmp0:
0x15: {  	[tilespmem:s20+$0x3C20] =	vst v0;
	(pc) =	sbr.rel @p0 .LBB2_2-.Ltmp0, $4  }
0x16: {  	[tilespmem:s20+$0x3C30] =	vst v0  }
0x17: {  	[tilespmem:s20+$0x3C40] =	vst v0  }
0x18: {  	[tilespmem:s20+$0x3C50] =	vst v0  }
0x19: {  	[tilespmem:s20+$0x3C60] =	vst v0;
	s20 =	sshra.s32 s21, $0x2;
	s21 =	sadd.s32 $0x200, s21  }
0x1a: {  	[tilespmem:s20+$0x3C70] =	vst v0  }
0x1b: {  	[tilespmem:s20+$0x3C00] =	vst v0  }
0x1c: {  	[tilespmem:s20+$0x3C10] =	vst v0  }
0x1d: {  	[tilespmem:s20+$0x3C20] =	vst v0  }
0x1e: {  	[tilespmem:s20+$0x3C30] =	vst v0  }
0x1f: {  	[tilespmem:s20+$0x3C40] =	vst v0  }
0x20: {  	[tilespmem:s20+$0x3C50] =	vst v0  }
0x21: {  	[tilespmem:s20+$0x3C60] =	vst v0  }
0x22: {  	[spmem:s5] =	stream.linear.scatter [tilespmem:s13], [sflag:$0x2], $0x7D00, $0x38;
	[tilespmem:$0x1F180] =	vst v63  }
0x23: {  	_ =	swait.ge [sflag:s14], $0x7D00  }
0x24: {  	[sflag:s14] =	ssyncset.done $0x0  }
0x25: {  	[sflag:s14] =	ssyncadd.s32 $0xFFFF8300  }
0x26: {  	[spmem:s6] =	stream.linear.scatter [tilespmem:s13], [sflag:$0x2], $0x7D00, $0x38;
	[tilespmem:$0x1F180] =	vst v63  }
0x27: {  	_ =	swait.ge [sflag:s14], $0x7D00  }
0x28: {  	[sflag:s14] =	ssyncset.done $0x0  }
0x29: {  	[sflag:s14] =	ssyncadd.s32 $0xFFFF8300  }
0x2a: {  	[spmem:s7] =	stream.linear.scatter [tilespmem:s13], [sflag:$0x2], $0x3E80, $0x38;
	[tilespmem:$0x1F180] =	vst v63  }
0x2b: {  	_ =	swait.ge [sflag:s14], $0x3E80  }
0x2c: {  	[sflag:s14] =	ssyncset.done $0x0  }
0x2d: {  	s29 =	simm.s32 $0x0;
	[sflag:s14] =	ssyncadd.s32 $0xFFFFC180  }
0x2e: {  	[tilespmem:s29], [sflag:$0x2] =	stream.linear.gather [hbm4b:s8+s29], $0x2800, $0x38;
	[tilespmem:$0x1F180] =	vst v63  }
0x2f: {  	_ =	swait.ge [sflag:s14], $0x2800  }
0x30: {  	[sflag:s14] =	ssyncset.done $0x0  }
0x31: {  	[sflag:s14] =	ssyncadd.s32 $0xFFFFD800  }
0x32: {  	[tilespmem:s15], [sflag:$0x2] =	stream.linear.gather [hbm4b:s9+s29], $0x1400, $0x38;
	[tilespmem:$0x1F180] =	vst v63  }
0x33: {  	_ =	swait.ge [sflag:s14], $0x1400  }
0x34: {  	[sflag:s14] =	ssyncset.done $0x0  }
0x35: {  	[sflag:s14] =	ssyncadd.s32 $0xFFFFEC00  }
0x36: {  	s30 =	simm.s32 $0x0;
	[bflag:$0x0] =	sbarrier.arrive $0xFFFF  }
0x37: {  	[tilespmem:s13], [sflag:$0x1] =	stream.indirect.gather [hbm4b:s2+s16], $0x80, s30, s16, $0xb8;
	[tilespmem:$0x1F180] =	vst v63  }
0x38: {  	_ =	swait.ge [sflag:s17], $0x7D00  }
0x39: {  	[sflag:s17] =	ssyncset.done $0x0  }
0x3a: {  	s31 =	simm.s32 $0x2800;
	[sflag:s17] =	ssyncadd.s32 $0xFFFF8300  }
0x3b: {  	[spmem:s3] =	stream.indirect.scatter.add.f32 [tilespmem:s13], [sflag:$0x2], $0x80, s31, s16, $0xb8;
	[tilespmem:$0x1F180] =	vst v63  }
0x3c: {  	_ =	swait.ge [sflag:s14], $0x7D00  }
0x3d: {  	s20 =	simm.s32 $0x400;
	s21 =	simm.s32 $0x800;
	[sflag:s14] =	ssyncset.done $0x0  }
.LBB2_4:
0x3e: {  	s22 =	sshra.s32 s20, $0x2  }
0x3f: {  	[sflag:s14] =	ssyncadd.s32 $0xFFFF8300;
	s20 =	smov.u32 s21;
	s23 =	sadd.s32 $0x400, s21  }
0x40: {  	[tilespmem:s13], [sflag:$0x1] =	stream.indirect.gather [hbm4b:s2+s16], $0x80, s22, s16, $0xb8;
	[tilespmem:$0x1F180] =	vst v63  }
0x41: {  	p0 =	sne.s32 s21, $0x4C00;
	_ =	swait.ge [sflag:s17], $0x7D00  }
.Ltmp1:
0x42: {  	[sflag:s17] =	ssyncset.done $0x0;
	(pc) =	sbr.rel @p0 .LBB2_4-.Ltmp1, $4  }
0x43: {  	s21 =	sadd.s32 $0x2800, s22;
	[sflag:s17] =	ssyncadd.s32 $0xFFFF8300  }
0x44: {  	[spmem:s3] =	stream.indirect.scatter.add.f32 [tilespmem:s13], [sflag:$0x2], $0x80, s21, s16, $0xb8;
	[tilespmem:$0x1F180] =	vst v63  }
0x45: {  	_ =	swait.ge [sflag:s14], $0x7D00  }
0x46: {  	s21 =	smov.u32 s23;
	[sflag:s14] =	ssyncset.done $0x0  }
0x47: {  	s20 =	sshra.s32 s20, $0x2;
	[sflag:s14] =	ssyncadd.s32 $0xFFFF8300  }
0x48: {  	[tilespmem:s13], [sflag:$0x1] =	stream.indirect.gather [hbm4b:s2+s16], $0x80, s20, s16, $0xb8;
	[tilespmem:$0x1F180] =	vst v63  }
0x49: {  	_ =	swait.ge [sflag:s17], $0x7D00  }
0x4a: {  	[sflag:s17] =	ssyncset.done $0x0  }
0x4b: {  	s20 =	sadd.s32 $0x2800, s20;
	[sflag:s17] =	ssyncadd.s32 $0xFFFF8300  }
0x4c: {  	[spmem:s3] =	stream.indirect.scatter.add.f32 [tilespmem:s13], [sflag:$0x2], $0x80, s20, s16, $0xb8;
	[tilespmem:$0x1F180] =	vst v63  }
0x4d: {  	_ =	swait.ge [sflag:s14], $0x7D00  }
0x4e: {  	[sflag:s14] =	ssyncset.done $0x0  }
0x4f: {  	s29 =	simm.s32 $0x0;
	[sflag:s14] =	ssyncadd.s32 $0xFFFF8300  }
0x50: {  	[tilespmem:s15], [sflag:$0x2] =	stream.linear.gather [hbm4b:s10+s29], $0x1400, $0x38;
	[tilespmem:$0x1F180] =	vst v63  }
0x51: {  	_ =	swait.ge [sflag:s14], $0x1400  }
0x52: {  	[sflag:s14] =	ssyncset.done $0x0  }
0x53: {  	s30 =	simm.s32 $0x1400;
	[sflag:s14] =	ssyncadd.s32 $0xFFFFEC00  }
0x54: {  	[tilespmem:s13], [sflag:$0x1] =	stream.indirect.gather [hbm4b:s2+s16], $0x80, s30, s16, $0xb8;
	[tilespmem:$0x1F180] =	vst v63  }
0x55: {  	_ =	swait.ge [sflag:s17], $0x7D00  }
0x56: {  	[sflag:s17] =	ssyncset.done $0x0  }
0x57: {  	s31 =	simm.s32 $0x2800;
	[sflag:s17] =	ssyncadd.s32 $0xFFFF8300  }
0x58: {  	[spmem:s3] =	stream.indirect.scatter.add.f32 [tilespmem:s13], [sflag:$0x2], $0x80, s31, s16, $0xb8;
	[tilespmem:$0x1F180] =	vst v63  }
0x59: {  	_ =	swait.ge [sflag:s14], $0x7D00  }
0x5a: {  	s21 =	simm.s32 $0x800;
	s20 =	simm.s32 $0x100;
	[sflag:s14] =	ssyncset.done $0x0  }
.LBB2_6:
0x5b: {  	s22 =	sadd.s32 $0x1400, s20  }
0x5c: {  	[sflag:s14] =	ssyncadd.s32 $0xFFFF8300;
	s23 =	smov.u32 s21;
	s24 =	sadd.s32 $0x400, s21  }
0x5d: {  	[tilespmem:s13], [sflag:$0x1] =	stream.indirect.gather [hbm4b:s2+s16], $0x80, s22, s16, $0xb8;
	[tilespmem:$0x1F180] =	vst v63  }
0x5e: {  	p0 =	sne.s32 s21, $0x4C00;
	_ =	swait.ge [sflag:s17], $0x7D00  }
.Ltmp2:
0x5f: {  	[sflag:s17] =	ssyncset.done $0x0;
	(pc) =	sbr.rel @p0 .LBB2_6-.Ltmp2, $4  }
0x60: {  	s20 =	sadd.s32 $0x2800, s20;
	[sflag:s17] =	ssyncadd.s32 $0xFFFF8300  }
0x61: {  	[spmem:s3] =	stream.indirect.scatter.add.f32 [tilespmem:s13], [sflag:$0x2], $0x80, s20, s16, $0xb8;
	[tilespmem:$0x1F180] =	vst v63  }
0x62: {  	_ =	swait.ge [sflag:s14], $0x7D00  }
0x63: {  	s21 =	smov.u32 s24;
	s20 =	sshra.s32 s23, $0x2;
	[sflag:s14] =	ssyncset.done $0x0  }
0x64: {  	s21 =	sadd.s32 $0x1400, s20;
	[sflag:s14] =	ssyncadd.s32 $0xFFFF8300  }
0x65: {  	[tilespmem:s13], [sflag:$0x1] =	stream.indirect.gather [hbm4b:s2+s16], $0x80, s21, s16, $0xb8;
	[tilespmem:$0x1F180] =	vst v63  }
0x66: {  	_ =	swait.ge [sflag:s17], $0x7D00  }
0x67: {  	[sflag:s17] =	ssyncset.done $0x0  }
0x68: {  	s31 =	sadd.s32 $0x2800, s20;
	[sflag:s17] =	ssyncadd.s32 $0xFFFF8300  }
0x69: {  	[spmem:s3] =	stream.indirect.scatter.add.f32 [tilespmem:s13], [sflag:$0x2], $0x80, s31, s16, $0xb8;
	[tilespmem:$0x1F180] =	vst v63  }
0x6a: {  	_ =	swait.ge [sflag:s14], $0x7D00  }
0x6b: {  	s4 =	sadd.s32 $0x1, s4;
	[sflag:s14] =	ssyncset.done $0x0  }
0x6c: {  	p0 =	sne.s32 s4, s12;
	[sflag:s14] =	ssyncadd.s32 $0xFFFF8300  }
.Ltmp3:
0x6d: {  	[bflag:$0x0] =	sbarrier.arrive $0xFFFF;
	(pc) =	sbr.rel @p0 .LBB2_1-.Ltmp3, $4  }
0x6e: {  	[hbm:s11], [sflag:s18] =	dma.local [spmem:s19], $0x2710  }
0x6f: {  	_ =	swait.ge [sflag:s14], $0x2710  }
0x70: {  	[sflag:s14] =	ssyncset.done $0x0  }
0x71: {  	[sflag:s14] =	ssyncadd.s32 $0xFFFFD8F0  }
0x72: {  	_ =	sfence.sel $0x180000  }
0x73: {  	[bflag:$0x0] =	sbarrier.arrive $0xFFFF  }
0x74: {  	p0 =	sne.s32 s0, $0x0;
	_ =	strace $0x9000004A  }
0x75: {  	s0 =	sadd.s32 @!p0 $0x100000, s1;
	[bflag:$0x2] =	sbarrier.arrive $0xFFFF  }
0x76: {  	[sflag:s0] =	ssyncadd.tile.s32 @!p0 $0x1;
	_ =	shalt  }
.Lfunc_end2:
_tile_overlayer_lowered:
.L_overlay_start_2:
0x77: {  	(tag) =	ssettag $0x2  }
0x78: {  	s0 =	rddreg [dreg:$0x0];
	s2 =	stileid.u32  }
0x79: {  	s1 =	rddreg [dreg:$0x1];
	p0 =	sne.s32 s2, $0x0  }
0x7a: {  	s3 =	rddreg [dreg:$0x2];
	[bflag:$0x3] =	sbarrier.arrive $0xFFFF;
	s2 =	simm.s32 @!p0 $0x1C02  }
0x7b: {  	[timem:s3], [sflag:s2] =	dma.local @!p0 [hbm:s0], s1  }
0x7c: {  	s0 =	simm.s32 @!p0 $0x2  }
0x7d: {  	_ =	swait.ge @!p0 [sflag:s0], s1  }
0x7e: {  	s1 =	ssub.s32 @!p0 $0x0, s1;
	[sflag:s0] =	ssyncset.done @!p0 $0x0  }
0x7f: {  	[sflag:s0] =	ssyncadd.s32 @!p0 s1  }
0x80: {  	[bflag:$0x3] =	sbarrier.arrive $0xFFFF  }
0x81: {  	_ =	shalt  }

// kernel: kernel.7.cloned.1.call-start
scs
__scs_entry_jumppad:
0x0: {  	(pc) =	sbr.rel $0x88, $3  }
0x1: {  	(tag) =	ssettag $0x0;
	lr =	simm.s32 $0x1  }
0x2: {  	[smem:$0x3F9D] =	sst lr;
	_ =	strace $0xD0000000  }
0x3: {  	_ = 	snop  }
0x4: {  	_ = 	snop  }
0x5: {  	_ = 	snop  }
0x6: {  	_ = 	snop  }
0x7: {  	_ = 	snop  }
__scs_overlays_trampoline_lowered:
0x8: {  	[smem:$0x3FAC] =	sst s0  }
0x9: {  	[smem:$0x3FAD] =	sst s1  }
0xa: {  	[smem:$0x3FAE] =	sst s2  }
0xb: {  	[smem:$0x3FAF] =	sst s3  }
0xc: {  	[smem:$0x3FB0] =	sst s4  }
0xd: {  	[smem:$0x3FB1] =	sst s5  }
0xe: {  	[smem:$0x3FB2] =	sst s6  }
0xf: {  	[smem:$0x3FB3] =	sst s7  }
0x10: {  	[smem:$0x3FB4] =	sst s8  }
0x11: {  	[smem:$0x3FB5] =	sst s9;
	s0 =	simm.s32 @!p0 $0x0  }
0x12: {  	s1 =	sld [smem:$0x3F9B];
	s0 =	simm.s32 @p0 $0x1  }
0x13: {  	[smem:$0x3FB6] =	sst s0;
	s0 =	simm.s32 @!p1 $0x0  }
0x14: {  	s2 =	sld [smem:$0x3F9A];
	s0 =	simm.s32 @p1 $0x1  }
0x15: {  	[smem:$0x3FB7] =	sst s0;
	s0 =	simm.s32 @!p2 $0x0  }
0x16: {  	s3 =	sld [smem:$0x3FDB];
	s0 =	simm.s32 @p2 $0x1  }
0x17: {  	s4 =	simm.s32 $0x1BF5;
	[smem:$0x3FB9] =	sst s0  }
0x18: {  	s0 =	sld [smem:$0x3F9C];
	_ =	swait.ge [sflag:s4], $0x0  }
0x19: {  	s7 =	sld [smem:$0x3F9D]  }
0x1a: {  	s8 =	sadd.s32 $0xFFFFE003, lr  }
0x1b: {  	s9 =	sadd.s32 $0xFFFFFEF7, lr;
	s5 =	simm.s32 $0xFFFFFFFF;
	p2 =	slt.u32 s8, $0xFFFFF086  }
0x1c: {  	p1 =	slt.u32 s9, $0xF7A;
	s5 =	simm.s32 @!p2 $0x0  }
0x1d: {  	s5 =	simm.s32 @p1 $0x1;
	p0 =	seq.s32 s7, s2  }
0x1e: {  	s7 =	smul.u32 @!p0 $0xF7A, s2;
	p2 =	seq.s32 @!p0 s5, $0x0  }
0x1f: {  	s9 =	smul.u32 $0xF7A, s1;
	s8 =	simm.s32 @!p0 $0x1BF5;
	p2 =	por !p2, p0  }
0x20: {  	[sflag:s8] =	ssyncset.s32 @!p0 $0xFFFFF086;
	s6 =	sadd.s32 @!p0 s3, s7;
	s7 =	simm.s32 @!p0 $0x108  }
0x21: {  	s3 =	sadd.s32 s3, s9;
	s6 =	sadd.s32 @!p0 $0x88, s6;
	s7 =	simm.s32 @p2 $0x1082  }
0x22: {  	[simem:s7], [sflag:s8] =	dma.local @!p0 [hbm:s6], $0xF7A  }
0x23: {  	s9 =	sor.u32 $0xD0000000, s2;
	s6 =	simm.s32 $0x108;
	_ =	swait.ge @!p0 [sflag:s8], $0x0  }
0x24: {  	s3 =	sadd.s32 $0x88, s3;
	s6 =	simm.s32 @!p1 $0x1082;
	[sflag:s4] =	ssyncset.s32 $0xFFFFF086  }
0x25: {  	[simem:s6], [sflag:s4] =	dma.local [hbm:s3], $0xF7A  }
0x26: {  	[smem:$0x3F9D] =	sst s1;
	(tag) =	ssettag s2;
	_ =	strace s9  }
0x27: {  	s1 =	sld [smem:$0x3FAD]  }
0x28: {  	s2 =	sld [smem:$0x3FAE]  }
0x29: {  	s4 =	sld [smem:$0x3FB0]  }
0x2a: {  	p0 =	seq.s32 s5, $0x0;
	s5 =	sld [smem:$0x3FB1]  }
0x2b: {  	s6 =	sld [smem:$0x3FB2]  }
0x2c: {  	s7 =	sld [smem:$0x3FB3]  }
0x2d: {  	s3 =	simm.s32 $0x108;
	s8 =	sld [smem:$0x3FB4]  }
0x2e: {  	s3 =	simm.s32 @!p0 $0x1082;
	s9 =	sld [smem:$0x3FB5]  }
0x2f: {  	lr =	sadd.s32 s0, s3;
	s0 =	sld [smem:$0x3FAC]  }
0x30: {  	s3 =	sld [smem:$0x3FAF]  }
0x31: {  	[smem:$0x3FB8] =	sst s10  }
0x32: {  	s10 =	sld [smem:$0x3FB6];
	_ =	sdelay $0x3  }
0x33: {  	p0 =	seq.s32 s10, $0x1;
	s10 =	sld [smem:$0x3FB8];
	_ =	sdelay $0x3  }
0x34: {  	[smem:$0x3FB8] =	sst s10  }
0x35: {  	s10 =	sld [smem:$0x3FB7];
	_ =	sdelay $0x3  }
0x36: {  	p1 =	seq.s32 s10, $0x1;
	s10 =	sld [smem:$0x3FB8];
	_ =	sdelay $0x3  }
0x37: {  	[smem:$0x3FB8] =	sst s10  }
0x38: {  	s10 =	sld [smem:$0x3FB9]  }
0x39: {  	_ = 	snop;
	(pc) =	sbr.ind lr, $3  }
0x3a: {  	_ = 	snop  }
0x3b: {  	_ = 	snop  }
0x3c: {  	p2 =	seq.s32 s10, $0x1;
	s10 =	sld [smem:$0x3FB8]  }
0x3d: {  	_ =	shalt  }
0x3e: {  	_ =	shalt  }
0x3f: {  	_ =	shalt  }
0x40: {  	_ =	shalt  }
0x41: {  	_ =	shalt  }
0x42: {  	_ =	shalt  }
0x43: {  	_ =	shalt  }
0x44: {  	_ =	shalt  }
0x45: {  	_ =	shalt  }
0x46: {  	_ =	shalt  }
0x47: {  	_ =	shalt  }
0x48: {  	_ =	shalt  }
0x49: {  	_ =	shalt  }
0x4a: {  	_ =	shalt  }
0x4b: {  	_ =	shalt  }
0x4c: {  	_ =	shalt  }
0x4d: {  	_ =	shalt  }
0x4e: {  	_ =	shalt  }
0x4f: {  	_ =	shalt  }
0x50: {  	_ =	shalt  }
0x51: {  	_ =	shalt  }
0x52: {  	_ =	shalt  }
0x53: {  	_ =	shalt  }
0x54: {  	_ =	shalt  }
0x55: {  	_ =	shalt  }
0x56: {  	_ =	shalt  }
0x57: {  	_ =	shalt  }
0x58: {  	_ =	shalt  }
0x59: {  	_ =	shalt  }
0x5a: {  	_ =	shalt  }
0x5b: {  	_ =	shalt  }
0x5c: {  	_ =	shalt  }
0x5d: {  	_ =	shalt  }
0x5e: {  	_ =	shalt  }
0x5f: {  	_ =	shalt  }
0x60: {  	_ =	shalt  }
0x61: {  	_ =	shalt  }
0x62: {  	_ =	shalt  }
0x63: {  	_ =	shalt  }
0x64: {  	_ =	shalt  }
0x65: {  	_ =	shalt  }
0x66: {  	_ =	shalt  }
0x67: {  	_ =	shalt  }
0x68: {  	_ =	shalt  }
0x69: {  	_ =	shalt  }
0x6a: {  	_ =	shalt  }
0x6b: {  	_ =	shalt  }
0x6c: {  	_ =	shalt  }
0x6d: {  	_ =	shalt  }
0x6e: {  	_ =	shalt  }
0x6f: {  	_ =	shalt  }
0x70: {  	_ =	shalt  }
0x71: {  	_ =	shalt  }
0x72: {  	_ =	shalt  }
0x73: {  	_ =	shalt  }
0x74: {  	_ =	shalt  }
0x75: {  	_ =	shalt  }
0x76: {  	_ =	shalt  }
0x77: {  	_ =	shalt  }
0x78: {  	_ =	shalt  }
0x79: {  	_ =	shalt  }
0x7a: {  	_ =	shalt  }
0x7b: {  	_ =	shalt  }
0x7c: {  	_ =	shalt  }
0x7d: {  	_ =	shalt  }
0x7e: {  	_ =	shalt  }
0x7f: {  	_ =	shalt  }
0x80: {  	_ =	shalt  }
0x81: {  	_ =	shalt  }
0x82: {  	_ =	shalt  }
0x83: {  	_ =	shalt  }
0x84: {  	_ =	shalt  }
0x85: {  	_ =	shalt  }
0x86: {  	_ =	shalt  }
0x87: {  	_ =	shalt  }
.Lfunc_end0:
.L_simem_size_0:
called_computation_lowered:
.L_overlay_start_0:
0x88: {  	s2 =	sld [smem:$0x3FD9]  }
0x89: {  	s3 =	sld [smem:$0x3FFE];
	_ =	sdelay $0x1  }
0x8a: {  	s1 =	srdreg.scid  }
0x8b: {  	s0 =	sand.u32 $0x1, s1  }
0x8c: {  	s17 =	sshll.u32 s0, $0xA;
	s2 =	sadd.s32 s3, s2  }
0x8d: {  	s2 =	sadd.s32 s2, s17  }
0x8e: {  	[smem:$0x3FC4] =	sst s2  }
0x8f: {  	_ = 	snop  }
0x90: {  	s2 =	sld [smem:$0x3FD0];
	(tm) =	ssettm $0x1  }
0x91: {  	s18 =	sld [smem:$0x3FFB];
	_ =	sdelay $0x3  }
0x92: {  	_ =	strace s18  }
0x93: {  	s3 =	sld [smem:$0x3FFC];
	_ =	sdelay $0x3  }
0x94: {  	_ =	strace s3  }
0x95: {  	s3 =	sld [smem:$0x3FFD];
	_ =	sdelay $0x3  }
0x96: {  	_ =	strace s3  }
0x97: {  	_ =	strace $0x8FFFFFFF  }
0x98: {  	s19 =	sld [smem:$0x3FDB];
	_ =	sdelay $0x1  }
0x99: {  	s4 =	simm.s32 $_scs_section_size  }
0x9a: {  	s5 =	simm.s32 $_size__tile_overlayer_lowered;
	s6 =	simm.s32 $_tile_overlayer_lowered  }
0x9b: {  	s22 =	simm.s32 $0x1BFF;
	s21 =	sshll.u32 s6, $0x1;
	s3 =	sadd.s32 s4, s19  }
0x9c: {  	s7 =	simm.s32 $0x0;
	s20 =	sshll.u32 s5, $0x1;
	s5 =	sadd.s32 s21, s3  }
0x9d: {  	[timem:s7], [sflag:s22] =	dma.local [hbm:s5], s20  }
0x9e: {  	_ =	swait.ge [sflag:s22], s20  }
0x9f: {  	s4 =	ssub.s32 $0x0, s20;
	[sflag:s22] =	ssyncset.done $0x0  }
0xa0: {  	[sflag:s22] =	ssyncadd.s32 s4;
	_ =	sdelay $0x1  }
0xa1: {  	s23 =	simm.s32 $0x1B8B  }
0xa2: {  	_ =	swait.ge [sflag:s23], $0x1  }
0xa3: {  	[sflag:s23] =	ssyncset.done $0x0  }
0xa4: {  	s25 =	simm.s32 $0x1B8E;
	s24 =	sld [smem:$0x3FFE];
	[sflag:s23] =	ssyncadd.s32 $0xFFFFFFFF  }
0xa5: {  	s26 =	simm.s32 $execute0_lowered;
	[smem:$0x3FD2] =	sst s25  }
0xa6: {  	s5 =	sshll.u32 s26, $0x1;
	_ =	strace $0x80000046;
	[dreg:$0x1] =	wrdreg $0xFFFFFFFF  }
0xa7: {  	s28 =	simm.s32 $_size_execute0_lowered;
	s3 =	sadd.s32 s3, s5;
	[dreg:$0x0] =	wrdreg $0x0  }
0xa8: {  	s5 =	sshll.u32 s28, $0x1;
	[dreg:$0x2] =	wrdreg s3  }
0xa9: {  	[dreg:$0x3] =	wrdreg s5  }
0xaa: {  	[dreg:$0x4] =	wrdreg $0xC0  }
0xab: {  	_ =	task [dreg:s7], $0x5FFFF  }
0xac: {  	[dreg:$0x1] =	wrdreg $0xFFFFFFFF  }
0xad: {  	[dreg:$0x0] =	wrdreg $0x60  }
0xae: {  	[dreg:$0x2] =	wrdreg s24  }
0xaf: {  	[dreg:$0x3] =	wrdreg s2  }
0xb0: {  	[dreg:$0x4] =	wrdreg $0x5EB00  }
0xb1: {  	[dreg:$0x5] =	wrdreg $0x9  }
0xb2: {  	_ =	task.clear_ibuf [dreg:s7], $0x6FFFF;
	_ =	strace $0x90000046  }
0xb3: {  	s29 =	simm.s32 $0x9;
	_ =	strace $0x80000048  }
0xb4: {  	_ =	swait.ge [sflag:s29], $0x1  }
0xb5: {  	[sflag:s29] =	ssyncadd.s32 $0xFFFFFFFF  }
0xb6: {  	_ =	strace $0x90000048  }
0xb7: {  	_ =	sfence  }
0xb8: {  	s30 =	sld [smem:$0x0];
	_ =	sdelay $0x2  }
0xb9: {  	s31 =	sshll.u32 s1, $0xD;
	s1 =	sshrl.u32 s1, $0x2  }
0xba: {  	s3 =	sand.u32 $0x4000, s31;
	s1 =	sadd.s32 s1, s30  }
0xbb: {  	s0 =	sor.u32 s3, s0;
	s1 =	sshll.u32 s1, $0x11  }
0xbc: {  	s0 =	sor.u32 s1, s0  }
0xbd: {  	s0 =	sadd.s32 $0x8F2B, s0  }
0xbe: {  	[sflag:s0] =	ssyncadd.remote.s32 $0x1  }
0xbf: {  	_ =	sfence.sel $0xFFFF  }
0xc0: {  	[dreg:$0x0] =	wrdreg $0xFFFFFFFF;
	(pc) =	sbr.abs _section_cstart, $3  }
0xc1: {  	[dreg:$0x1] =	wrdreg $0xFFFFFFFF  }
0xc2: {  	_ =	task.clear_ibuf [dreg:s7], $0x2FFFF;
	_ =	strace $0x9FFFFFFF  }
0xc3: {  	(tm) =	ssettm $0x7FFFFFFF  }
tec
execute0_lowered:
.L_overlay_start_1:
0x0: {  	(tag) =	ssettag $0x1  }
0x1: {  	s4 =	rddreg [dreg:$0x0]  }
0x2: {  	s7 =	rddreg [dreg:$0x1]  }
0x3: {  	s0 =	srdreg.scid;
	s1 =	stileid.u32  }
0x4: {  	s2 =	rddreg [dreg:$0x2];
	s8 =	smul.u32 $0x2800, s1  }
0x5: {  	s3 =	simm.s32 $0x0;
	s12 =	simm.s32 $0xFA;
	s9 =	smul.u32 $0x9C40, s1  }
0x6: {  	s5 =	sand.u32 $0x1, s0;
	s0 =	rddreg [dreg:$0x3];
	s10 =	smul.u32 $0x2710, s1  }
0x7: {  	[smem:$0x7FF] =	sst s3;
	s13 =	sshll.u32 s1, $0x6;
	s6 =	smul.u32 $0x28000, s5  }
0x8: {  	_ =	strace $0x80000047;
	s30 =	smul.u32 $0x27100, s5;
	s5 =	ssub.s32 $0x2, s5  }
0x9: {  	s13 =	sor.u32 $0x1C01, s13;
	s11 =	sshrl.u32 s5, $0x1;
	s31 =	sshrl.u32 s9, $0x2  }
0xa: {  	s9 =	simm.s32 $0x37A0;
	s6 =	sadd.s32 s8, s6;
	s11 =	ssub.s32 s5, s11  }
0xb: {  	s8 =	sadd.s32 s10, s30;
	s5 =	sadd.s32 s31, s2;
	s10 =	simm.s32 $0x1  }
0xc: {  	s6 =	sshrl.u32 s6, $0x3;
	s8 =	sshrl.u32 s8, $0x3;
	s14 =	sshrl.u32 s5, $0x3  }
0xd: {  	s6 =	sadd.s32 s6, s4;
	s4 =	sadd.s32 $0xBA00, s4;
	s7 =	sadd.s32 s7, s8  }
0xe: {  	v0 =	vimm.f32 $0.0e+00;
	s8 =	smax.u32 s11, $0x1;
	s11 =	simm.s32 $0x2800;
	s6 =	sadd.s32 $0x1A00, s6  }
.LBB2_1:
0xf: {  	s15 =	simm.s32 $0x40;
	s16 =	simm.s32 $0x0  }
.LBB2_2:
0x10: {  	p0 =	sne.s32 s15, $0x9C00;
	[tilespmem:s16+$0x37A0] =	vst v0;
	s16 =	smov.u32 s15;
	s15 =	sadd.s32 $0x40, s15  }
.Ltmp0:
0x11: {  	(pc) =	sbr.rel @p0 .LBB2_2-.Ltmp0, $2  }
0x12: {  	_ =	sdelay $0x2  }
0x13: {  	s16 =	sshra.s32 s16, $0x2  }
0x14: {  	[tilespmem:s16+$0x37A0] =	vst v0  }
0x15: {  	[spmem:s5] =	stream.linear.scatter [tilespmem:s9], [sflag:$0x1], $0x2710, $0x38;
	[tilespmem:$0x85C0] =	vst v63  }
0x16: {  	_ =	swait.ge [sflag:s10], $0x2710  }
0x17: {  	[sflag:s10] =	ssyncset.done $0x0  }
0x18: {  	s15 =	simm.s32 $0x0;
	[sflag:s10] =	ssyncadd.s32 $0xFFFFD8F0  }
0x19: {  	[tilespmem:s15], [sflag:$0x1] =	stream.linear.gather [hbm4b:s6+s15], $0x2800, $0x38;
	[tilespmem:$0x85C0] =	vst v63  }
0x1a: {  	_ =	swait.ge [sflag:s10], $0x2800  }
0x1b: {  	[sflag:s10] =	ssyncset.done $0x0  }
0x1c: {  	[sflag:s10] =	ssyncadd.s32 $0xFFFFD800  }
0x1d: {  	[tilespmem:s11], [sflag:$0x1] =	stream.linear.gather [hbm4b:s4+s15], $0xFA0, $0x38;
	[tilespmem:$0x85C0] =	vst v63  }
0x1e: {  	_ =	swait.ge [sflag:s10], $0xFA0  }
0x1f: {  	[sflag:s10] =	ssyncset.done $0x0  }
0x20: {  	[sflag:s10] =	ssyncadd.s32 $0xFFFFF060  }
0x21: {  	s31 =	simm.s32 $0x0;
	[bflag:$0x0] =	sbarrier.arrive $0xFFFF  }
0x22: {  	[spmem:s2] =	stream.indirect.scatter.add.f32 [tilespmem:s11], [sflag:$0x1], $0x10, s31, s12, $0xb8;
	[tilespmem:$0x85C0] =	vst v63  }
0x23: {  	_ =	swait.ge [sflag:s10], $0xFA0  }
0x24: {  	s15 =	simm.s32 $0x400;
	[sflag:s10] =	ssyncset.done $0x0  }
.LBB2_4:
0x25: {  	s16 =	sshra.s32 s15, $0x2;
	[sflag:s10] =	ssyncadd.s32 $0xFFFFF060;
	p0 =	sne.s32 s15, $0x9C00  }
0x26: {  	[spmem:s2] =	stream.indirect.scatter.add.f32 [tilespmem:s11], [sflag:$0x1], $0x10, s16, s12, $0xb8;
	[tilespmem:$0x85C0] =	vst v63  }
.Ltmp1:
0x27: {  	_ = 	snop;
	(pc) =	sbr.rel @p0 .LBB2_4-.Ltmp1, $4  }
0x28: {  	_ = 	snop  }
0x29: {  	s15 =	sadd.s32 $0x400, s15  }
0x2a: {  	_ =	swait.ge [sflag:s10], $0xFA0  }
0x2b: {  	[sflag:s10] =	ssyncset.done $0x0  }
0x2c: {  	s3 =	sadd.s32 $0x1, s3  }
0x2d: {  	[sflag:s10] =	ssyncadd.s32 $0xFFFFF060;
	p0 =	sne.s32 s3, s8  }
.Ltmp2:
0x2e: {  	[bflag:$0x0] =	sbarrier.arrive $0xFFFF;
	(pc) =	sbr.rel @p0 .LBB2_1-.Ltmp2, $4  }
0x2f: {  	[hbm:s7], [sflag:s13] =	dma.local [spmem:s14], $0x4E2  }
0x30: {  	_ =	swait.ge [sflag:s10], $0x4E2  }
0x31: {  	[sflag:s10] =	ssyncset.done $0x0  }
0x32: {  	[sflag:s10] =	ssyncadd.s32 $0xFFFFFB1E  }
0x33: {  	_ =	sfence.sel $0x180000  }
0x34: {  	[bflag:$0x0] =	sbarrier.arrive $0xFFFF  }
0x35: {  	p0 =	sne.s32 s1, $0x0;
	_ =	strace $0x90000047  }
0x36: {  	s0 =	sadd.s32 @!p0 $0x100000, s0;
	[bflag:$0x2] =	sbarrier.arrive $0xFFFF  }
0x37: {  	[sflag:s0] =	ssyncadd.tile.s32 @!p0 $0x1;
	_ =	shalt  }
.Lfunc_end2:
_tile_overlayer_lowered:
.L_overlay_start_2:
0x38: {  	(tag) =	ssettag $0x2  }
0x39: {  	s0 =	rddreg [dreg:$0x0];
	s2 =	stileid.u32  }
0x3a: {  	s1 =	rddreg [dreg:$0x1];
	p0 =	sne.s32 s2, $0x0  }
0x3b: {  	s3 =	rddreg [dreg:$0x2];
	[bflag:$0x3] =	sbarrier.arrive $0xFFFF;
	s2 =	simm.s32 @!p0 $0x1C01  }
0x3c: {  	[timem:s3], [sflag:s2] =	dma.local @!p0 [hbm:s0], s1  }
0x3d: {  	s0 =	simm.s32 @!p0 $0x1  }
0x3e: {  	_ =	swait.ge @!p0 [sflag:s0], s1  }
0x3f: {  	s1 =	ssub.s32 @!p0 $0x0, s1;
	[sflag:s0] =	ssyncset.done @!p0 $0x0  }
0x40: {  	[sflag:s0] =	ssyncadd.s32 @!p0 s1  }
0x41: {  	[bflag:$0x3] =	sbarrier.arrive $0xFFFF  }
0x42: {  	_ =	shalt  }

</sc_bundles>
